<compile_context>
chip_gen: v7x
topology: tpu7x:2x2x1
jax: 0.10.2.dev20260603
libtpu: 0.0.44.dev20260713+nightly
codegen_flags: <defaults>
</compile_context>

<pallas_src>
import functools

import jax
import jax.numpy as jnp
from jax import lax
from jax.experimental import pallas as pl
from jax.experimental.pallas import tpu as pltpu
from jax.experimental.pallas import tpu_sc as plsc

N_EXPERTS = 8
TOP_K = 2
BT = 2048
NBUF = 4
L = 16


def _logits_block(x_blk, w, l_ref, base):
    logits = jax.lax.dot_general(
        w, x_blk, (((1,), (1,)), ((), ())),
        preferred_element_type=jnp.float32)
    l_ref[:, pl.ds(base, BT)] = logits


def _logits_body(x_hbm, w_ref, l_ref, *bufs_and_sems):
    bufs = bufs_and_sems[:NBUF]
    sems = bufs_and_sems[NBUF:]
    t = x_hbm.shape[0]
    nstep = t // BT
    w = w_ref[...]

    def copy(step, buf):
        return pltpu.make_async_copy(
            x_hbm.at[pl.ds(step * BT, BT), :], bufs[buf], sems[buf])

    for k in range(min(NBUF, nstep)):
        copy(k, k).start()
    for i in range(nstep):
        b = i % NBUF
        copy(i, b).wait()
        _logits_block(bufs[b][...], w, l_ref, i * BT)
        nx = i + NBUF
        if nx < nstep:
            copy(nx, b).start()


def _tc_logits(x2d, w_gate):
    t = x2d.shape[0]
    d = x2d.shape[1]
    return pl.pallas_call(
        _logits_body,
        in_specs=[
            pl.BlockSpec(memory_space=pltpu.MemorySpace.HBM),
            pl.BlockSpec(memory_space=pltpu.MemorySpace.VMEM),
        ],
        out_specs=pl.BlockSpec(memory_space=pltpu.MemorySpace.VMEM),
        out_shape=jax.ShapeDtypeStruct((N_EXPERTS, t), jnp.float32),
        scratch_shapes=(
            [pltpu.VMEM((BT, d), jnp.float32) for _ in range(NBUF)]
            + [pltpu.SemaphoreType.DMA for _ in range(NBUF)]
        ),
    )(x2d, w_gate)


def _sc_route_make(t):
    info = plsc.get_sparse_core_info()
    nw = info.num_cores * info.num_subcores
    tok_w = t // nw
    mesh = plsc.VectorSubcoreMesh(core_axis_name="c", subcore_axis_name="s")

    @functools.partial(
        pl.kernel,
        mesh=mesh,
        out_type=[
            jax.ShapeDtypeStruct((TOP_K, t), jnp.float32),
            jax.ShapeDtypeStruct((TOP_K, t), jnp.int32),
        ],
        scratch_types=[
            pltpu.VMEM((N_EXPERTS, tok_w), jnp.float32),
            pltpu.VMEM((TOP_K, tok_w), jnp.float32),
            pltpu.VMEM((TOP_K, tok_w), jnp.int32),
        ],
    )
    def _sc_route(l_hbm, g_hbm, i_hbm, lg_v, gv_v, iv_v):
        wid = lax.axis_index("s") * info.num_cores + lax.axis_index("c")
        base = wid * tok_w
        pltpu.sync_copy(l_hbm.at[:, pl.ds(base, tok_w)], lg_v)

        def body(gi, _):
            off = gi * L
            l = [lg_v[e, pl.ds(off, L)] for e in range(N_EXPERTS)]
            m = l[0]
            for e in range(1, N_EXPERTS):
                m = jnp.maximum(m, l[e])
            ex = [jnp.exp(v - m) for v in l]
            s = ex[0]
            for e in range(1, N_EXPERTS):
                s = s + ex[e]
            gates = [v / s for v in ex]

            v1 = gates[0]
            i1 = jnp.zeros((L,), jnp.int32)
            for e in range(1, N_EXPERTS):
                upd = gates[e] > v1
                v1 = jnp.where(upd, gates[e], v1)
                i1 = jnp.where(upd, jnp.int32(e), i1)
            v2 = jnp.full((L,), -1.0, jnp.float32)
            i2 = jnp.zeros((L,), jnp.int32)
            for e in range(N_EXPERTS):
                cand = jnp.where(i1 == e, jnp.float32(-1.0), gates[e])
                upd = cand > v2
                v2 = jnp.where(upd, cand, v2)
                i2 = jnp.where(upd, jnp.int32(e), i2)

            denom = v1 + v2 + jnp.float32(1e-8)
            gv_v[0, pl.ds(off, L)] = v1 / denom
            gv_v[1, pl.ds(off, L)] = v2 / denom
            iv_v[0, pl.ds(off, L)] = i1
            iv_v[1, pl.ds(off, L)] = i2
            return 0

        lax.fori_loop(0, tok_w // L, body, 0)
        pltpu.sync_copy(gv_v, g_hbm.at[:, pl.ds(base, tok_w)])
        pltpu.sync_copy(iv_v, i_hbm.at[:, pl.ds(base, tok_w)])

    return _sc_route


def kernel(x, W_gate):
    orig = x.shape
    x2d = x.reshape(-1, orig[-1])
    t = x2d.shape[0]
    logits = _tc_logits(x2d, W_gate)
    g, i = _sc_route_make(t)(logits)
    new_shape = orig[:-1] + (TOP_K,)
    return g.T.reshape(new_shape), i.T.reshape(new_shape)

# --- scband reference (transcript-rebuilt; emitter-appended) ---
"""Pipeline reference for scband-router-18777597018867 (READ-ONLY COPY).

The authoritative reference and input builder live on the scoring server;
editing this copy changes nothing except your own understanding.
"""

import jax, jax.numpy as jnp
import numpy as np
import math

D_INPUT = 1024
N_EXPERTS = 8
TOP_K = 2

def setup_inputs(seed: int = 0) -> dict:
    key = jax.random.key(seed)
    k1, k2 = jax.random.split(key)
    x = jax.random.normal(k1, (4, 8192, D_INPUT), dtype=jnp.float32)
    # torch nn.Linear weight shape is (out_features, in_features) = (n_experts, d_input)
    # xavier_uniform_: bound = sqrt(6 / (fan_in + fan_out))
    limit = math.sqrt(6.0 / (D_INPUT + N_EXPERTS))
    W_gate = jax.random.uniform(k2, (N_EXPERTS, D_INPUT), minval=-limit, maxval=limit, dtype=jnp.float32)
    return {"x": x, "W_gate": W_gate}

def reference(x, W_gate):
    # Router.forward in eval/inference mode (noisy_gating=False):
    original_shape = x.shape
    x_flat = x.reshape(-1, x.shape[-1])
    clean_logits = x_flat @ W_gate.T  # F.linear, no bias
    noisy_logits = clean_logits      # no noise branch
    gates = jax.nn.softmax(noisy_logits, axis=-1)
    top_k_gates, top_k_indices = jax.lax.top_k(gates, TOP_K)
    top_k_gates = top_k_gates / (jnp.sum(top_k_gates, axis=-1, keepdims=True) + 1e-08)
    new_shape = original_shape[:-1] + (TOP_K,)
    top_k_gates = top_k_gates.reshape(new_shape)
    top_k_indices = top_k_indices.reshape(new_shape)
    return (top_k_gates, top_k_indices)

if __name__ == "__main__":
    import jax
    _d = setup_inputs()
    print(jax.jit(kernel)(*tuple(_d.values())))

</pallas_src>

<mosaic_0001>
#map = affine_map<(d0, d1) -> (0, 0)>
module attributes {stable_mosaic.version = 14 : i64} {
  func.func @_sc_route(%arg0: i32, %arg1: i32, %arg2: memref<8x32768xf32, #tpu.memory_space<hbm>>, %arg3: memref<2x32768xf32, #tpu.memory_space<hbm>>, %arg4: memref<2x32768xi32, #tpu.memory_space<hbm>>, %arg5: memref<8x1024xf32, #tpu.memory_space<vmem>>, %arg6: memref<2x1024xf32, #tpu.memory_space<vmem>>, %arg7: memref<2x1024xi32, #tpu.memory_space<vmem>>) attributes {dimension_semantics = [#tpu.dimension_semantics<core_parallel>, #tpu.dimension_semantics<subcore_parallel>], iteration_bounds = array<i64: 2, 16>, scalar_prefetch = 0 : i64, scratch_operands = 3 : i64, tpu.core_type = #tpu.core_type<sc_vector_subcore>, window_params = [{transform_indices = #map}, {transform_indices = #map}, {transform_indices = #map}]} {
    %mul3A = arith.constant 2 : i32
    %mul3A_0 = arith.muli %arg1, %mul3A : i32
    %add3A = arith.addi %mul3A_0, %arg0 : i32
    %mul3A_1 = arith.constant 1024 : i32
    %mul3A_2 = arith.muli %add3A, %mul3A_1 : i32
    "tpu.region"() ({
      %run_scoped3A = tpu.sem_alloc : memref<!tpu.dma_semaphore, #tpu.memory_space<semaphore_mem>>
      %dma_start3A = arith.constant 0 : i32
      %dma_start3A_9 = tpu.memref_slice %arg2[%dma_start3A, %mul3A_2] : memref<8x32768xf32, #tpu.memory_space<hbm>> -> memref<8x1024xf32, #tpu.memory_space<hbm>>
      %dma_start3A_10 = arith.constant 0 : i32
      %dma_start3A_11 = tpu.memref_slice %arg2[%dma_start3A_10, %mul3A_2] : memref<8x32768xf32, #tpu.memory_space<hbm>> -> memref<8x1024xf32, #tpu.memory_space<hbm>>
      tpu.enqueue_dma source(%dma_start3A_11 : memref<8x1024xf32, #tpu.memory_space<hbm>>) target(%arg5 : memref<8x1024xf32, #tpu.memory_space<vmem>>) target_semaphore(%run_scoped3A : memref<!tpu.dma_semaphore, #tpu.memory_space<semaphore_mem>>)
      %dma_wait3A = arith.constant 0 : i32
      %dma_wait3A_12 = tpu.memref_slice %arg2[%dma_wait3A, %mul3A_2] : memref<8x32768xf32, #tpu.memory_space<hbm>> -> memref<8x1024xf32, #tpu.memory_space<hbm>>
      %dma_wait3A_13 = arith.constant 0 : i32
      %dma_wait3A_14 = tpu.memref_slice %arg2[%dma_wait3A_13, %mul3A_2] : memref<8x32768xf32, #tpu.memory_space<hbm>> -> memref<8x1024xf32, #tpu.memory_space<hbm>>
      tpu.wait_dma2 semaphore(%run_scoped3A : memref<!tpu.dma_semaphore, #tpu.memory_space<semaphore_mem>>) src(%dma_wait3A_14 : memref<8x1024xf32, #tpu.memory_space<hbm>>) dst(%arg5 : memref<8x1024xf32, #tpu.memory_space<vmem>>)
      tpu.yield
    }) : () -> ()
    %scan3A = arith.constant 0 : i32
    %scan3A_3 = arith.constant 0 : i32
    %scan3A_4 = arith.constant 64 : i32
    %scan3A_5 = arith.addi %scan3A_3, %scan3A_4 : i32
    %scan3A_6 = arith.constant 1 : i32
    %scan3A_7 = scf.for %scan3A_9 = %scan3A_3 to %scan3A_5 step %scan3A_6 iter_args(%scan3A_10 = %scan3A) -> (i32)  : i32 {
      %mul3A_11 = arith.constant 16 : i32
      %mul3A_12 = arith.muli %scan3A_9, %mul3A_11 : i32
      %get3A = arith.constant 0 : i32
      %get3A_13 = arith.index_cast %get3A : i32 to index
      %get3A_14 = arith.index_cast %mul3A_12 : i32 to index
      %get3A_15 = tpu.vector_load %arg5[%get3A_13, %get3A_14] {strides = array<i32>} : memref<8x1024xf32, #tpu.memory_space<vmem>>, vector<1x16xf32>,
      %get3A_16 = vector.shape_cast %get3A_15 : vector<1x16xf32> to vector<16xf32>
      %get3A_17 = arith.constant 1 : i32
      %get3A_18 = arith.index_cast %get3A_17 : i32 to index
      %get3A_19 = arith.index_cast %mul3A_12 : i32 to index
      %get3A_20 = tpu.vector_load %arg5[%get3A_18, %get3A_19] {strides = array<i32>} : memref<8x1024xf32, #tpu.memory_space<vmem>>, vector<1x16xf32>,
      %get3A_21 = vector.shape_cast %get3A_20 : vector<1x16xf32> to vector<16xf32>
      %get3A_22 = arith.constant 2 : i32
      %get3A_23 = arith.index_cast %get3A_22 : i32 to index
      %get3A_24 = arith.index_cast %mul3A_12 : i32 to index
      %get3A_25 = tpu.vector_load %arg5[%get3A_23, %get3A_24] {strides = array<i32>} : memref<8x1024xf32, #tpu.memory_space<vmem>>, vector<1x16xf32>,
      %get3A_26 = vector.shape_cast %get3A_25 : vector<1x16xf32> to vector<16xf32>
      %get3A_27 = arith.constant 3 : i32
      %get3A_28 = arith.index_cast %get3A_27 : i32 to index
      %get3A_29 = arith.index_cast %mul3A_12 : i32 to index
      %get3A_30 = tpu.vector_load %arg5[%get3A_28, %get3A_29] {strides = array<i32>} : memref<8x1024xf32, #tpu.memory_space<vmem>>, vector<1x16xf32>,
      %get3A_31 = vector.shape_cast %get3A_30 : vector<1x16xf32> to vector<16xf32>
      %get3A_32 = arith.constant 4 : i32
      %get3A_33 = arith.index_cast %get3A_32 : i32 to index
      %get3A_34 = arith.index_cast %mul3A_12 : i32 to index
      %get3A_35 = tpu.vector_load %arg5[%get3A_33, %get3A_34] {strides = array<i32>} : memref<8x1024xf32, #tpu.memory_space<vmem>>, vector<1x16xf32>,
      %get3A_36 = vector.shape_cast %get3A_35 : vector<1x16xf32> to vector<16xf32>
      %get3A_37 = arith.constant 5 : i32
      %get3A_38 = arith.index_cast %get3A_37 : i32 to index
      %get3A_39 = arith.index_cast %mul3A_12 : i32 to index
      %get3A_40 = tpu.vector_load %arg5[%get3A_38, %get3A_39] {strides = array<i32>} : memref<8x1024xf32, #tpu.memory_space<vmem>>, vector<1x16xf32>,
      %get3A_41 = vector.shape_cast %get3A_40 : vector<1x16xf32> to vector<16xf32>
      %get3A_42 = arith.constant 6 : i32
      %get3A_43 = arith.index_cast %get3A_42 : i32 to index
      %get3A_44 = arith.index_cast %mul3A_12 : i32 to index
      %get3A_45 = tpu.vector_load %arg5[%get3A_43, %get3A_44] {strides = array<i32>} : memref<8x1024xf32, #tpu.memory_space<vmem>>, vector<1x16xf32>,
      %get3A_46 = vector.shape_cast %get3A_45 : vector<1x16xf32> to vector<16xf32>
      %get3A_47 = arith.constant 7 : i32
      %get3A_48 = arith.index_cast %get3A_47 : i32 to index
      %get3A_49 = arith.index_cast %mul3A_12 : i32 to index
      %get3A_50 = tpu.vector_load %arg5[%get3A_48, %get3A_49] {strides = array<i32>} : memref<8x1024xf32, #tpu.memory_space<vmem>>, vector<1x16xf32>,
      %get3A_51 = vector.shape_cast %get3A_50 : vector<1x16xf32> to vector<16xf32>
      %max3A = arith.maximumf %get3A_16, %get3A_21 : vector<16xf32>
      %max3A_52 = arith.maximumf %max3A, %get3A_26 : vector<16xf32>
      %max3A_53 = arith.maximumf %max3A_52, %get3A_31 : vector<16xf32>
      %max3A_54 = arith.maximumf %max3A_53, %get3A_36 : vector<16xf32>
      %max3A_55 = arith.maximumf %max3A_54, %get3A_41 : vector<16xf32>
      %max3A_56 = arith.maximumf %max3A_55, %get3A_46 : vector<16xf32>
      %max3A_57 = arith.maximumf %max3A_56, %get3A_51 : vector<16xf32>
      %sub3A = arith.subf %get3A_16, %max3A_57 : vector<16xf32>
      %exp3A = math.exp %sub3A : vector<16xf32>
      %sub3A_58 = arith.subf %get3A_21, %max3A_57 : vector<16xf32>
      %exp3A_59 = math.exp %sub3A_58 : vector<16xf32>
      %sub3A_60 = arith.subf %get3A_26, %max3A_57 : vector<16xf32>
      %exp3A_61 = math.exp %sub3A_60 : vector<16xf32>
      %sub3A_62 = arith.subf %get3A_31, %max3A_57 : vector<16xf32>
      %exp3A_63 = math.exp %sub3A_62 : vector<16xf32>
      %sub3A_64 = arith.subf %get3A_36, %max3A_57 : vector<16xf32>
      %exp3A_65 = math.exp %sub3A_64 : vector<16xf32>
      %sub3A_66 = arith.subf %get3A_41, %max3A_57 : vector<16xf32>
      %exp3A_67 = math.exp %sub3A_66 : vector<16xf32>
      %sub3A_68 = arith.subf %get3A_46, %max3A_57 : vector<16xf32>
      %exp3A_69 = math.exp %sub3A_68 : vector<16xf32>
      %sub3A_70 = arith.subf %get3A_51, %max3A_57 : vector<16xf32>
      %exp3A_71 = math.exp %sub3A_70 : vector<16xf32>
      %add3A_72 = arith.addf %exp3A, %exp3A_59 : vector<16xf32>
      %add3A_73 = arith.addf %add3A_72, %exp3A_61 : vector<16xf32>
      %add3A_74 = arith.addf %add3A_73, %exp3A_63 : vector<16xf32>
      %add3A_75 = arith.addf %add3A_74, %exp3A_65 : vector<16xf32>
      %add3A_76 = arith.addf %add3A_75, %exp3A_67 : vector<16xf32>
      %add3A_77 = arith.addf %add3A_76, %exp3A_69 : vector<16xf32>
      %add3A_78 = arith.addf %add3A_77, %exp3A_71 : vector<16xf32>
      %div3A = arith.divf %exp3A, %add3A_78 : vector<16xf32>
      %div3A_79 = arith.divf %exp3A_59, %add3A_78 : vector<16xf32>
      %div3A_80 = arith.divf %exp3A_61, %add3A_78 : vector<16xf32>
      %div3A_81 = arith.divf %exp3A_63, %add3A_78 : vector<16xf32>
      %div3A_82 = arith.divf %exp3A_65, %add3A_78 : vector<16xf32>
      %div3A_83 = arith.divf %exp3A_67, %add3A_78 : vector<16xf32>
      %div3A_84 = arith.divf %exp3A_69, %add3A_78 : vector<16xf32>
      %div3A_85 = arith.divf %exp3A_71, %add3A_78 : vector<16xf32>
      %broadcast_in_dim3A = arith.constant 0 : i32
      %broadcast_in_dim3A_86 = vector.broadcast %broadcast_in_dim3A : i32 to vector<16xi32>
      %gt3A = arith.cmpf ogt, %div3A_79, %div3A : vector<16xf32>
      %select_n3A = arith.select %gt3A, %div3A_79, %div3A : vector<16xi1>, vector<16xf32>
      %jit3A = arith.constant 1 : i32
      %broadcast_in_dim3A_87 = vector.broadcast %jit3A : i32 to vector<16xi32>
      %select_n3A_88 = arith.select %gt3A, %broadcast_in_dim3A_87, %broadcast_in_dim3A_86 : vector<16xi1>, vector<16xi32>
      %gt3A_89 = arith.cmpf ogt, %div3A_80, %select_n3A : vector<16xf32>
      %select_n3A_90 = arith.select %gt3A_89, %div3A_80, %select_n3A : vector<16xi1>, vector<16xf32>
      %jit3A_91 = arith.constant 2 : i32
      %broadcast_in_dim3A_92 = vector.broadcast %jit3A_91 : i32 to vector<16xi32>
      %select_n3A_93 = arith.select %gt3A_89, %broadcast_in_dim3A_92, %select_n3A_88 : vector<16xi1>, vector<16xi32>
      %gt3A_94 = arith.cmpf ogt, %div3A_81, %select_n3A_90 : vector<16xf32>
      %select_n3A_95 = arith.select %gt3A_94, %div3A_81, %select_n3A_90 : vector<16xi1>, vector<16xf32>
      %jit3A_96 = arith.constant 3 : i32
      %broadcast_in_dim3A_97 = vector.broadcast %jit3A_96 : i32 to vector<16xi32>
      %select_n3A_98 = arith.select %gt3A_94, %broadcast_in_dim3A_97, %select_n3A_93 : vector<16xi1>, vector<16xi32>
      %gt3A_99 = arith.cmpf ogt, %div3A_82, %select_n3A_95 : vector<16xf32>
      %select_n3A_100 = arith.select %gt3A_99, %div3A_82, %select_n3A_95 : vector<16xi1>, vector<16xf32>
      %jit3A_101 = arith.constant 4 : i32
      %broadcast_in_dim3A_102 = vector.broadcast %jit3A_101 : i32 to vector<16xi32>
      %select_n3A_103 = arith.select %gt3A_99, %broadcast_in_dim3A_102, %select_n3A_98 : vector<16xi1>, vector<16xi32>
      %gt3A_104 = arith.cmpf ogt, %div3A_83, %select_n3A_100 : vector<16xf32>
      %select_n3A_105 = arith.select %gt3A_104, %div3A_83, %select_n3A_100 : vector<16xi1>, vector<16xf32>
      %jit3A_106 = arith.constant 5 : i32
      %broadcast_in_dim3A_107 = vector.broadcast %jit3A_106 : i32 to vector<16xi32>
      %select_n3A_108 = arith.select %gt3A_104, %broadcast_in_dim3A_107, %select_n3A_103 : vector<16xi1>, vector<16xi32>
      %gt3A_109 = arith.cmpf ogt, %div3A_84, %select_n3A_105 : vector<16xf32>
      %select_n3A_110 = arith.select %gt3A_109, %div3A_84, %select_n3A_105 : vector<16xi1>, vector<16xf32>
      %jit3A_111 = arith.constant 6 : i32
      %broadcast_in_dim3A_112 = vector.broadcast %jit3A_111 : i32 to vector<16xi32>
      %select_n3A_113 = arith.select %gt3A_109, %broadcast_in_dim3A_112, %select_n3A_108 : vector<16xi1>, vector<16xi32>
      %gt3A_114 = arith.cmpf ogt, %div3A_85, %select_n3A_110 : vector<16xf32>
      %select_n3A_115 = arith.select %gt3A_114, %div3A_85, %select_n3A_110 : vector<16xi1>, vector<16xf32>
      %jit3A_116 = arith.constant 7 : i32
      %broadcast_in_dim3A_117 = vector.broadcast %jit3A_116 : i32 to vector<16xi32>
      %select_n3A_118 = arith.select %gt3A_114, %broadcast_in_dim3A_117, %select_n3A_113 : vector<16xi1>, vector<16xi32>
      %broadcast_in_dim3A_119 = arith.constant -1.000000e+00 : f32
      %broadcast_in_dim3A_120 = vector.broadcast %broadcast_in_dim3A_119 : f32 to vector<16xf32>
      %broadcast_in_dim3A_121 = arith.constant 0 : i32
      %broadcast_in_dim3A_122 = vector.broadcast %broadcast_in_dim3A_121 : i32 to vector<16xi32>
      %eq3A = arith.constant 0 : i32
      %eq3A_123 = vector.broadcast %eq3A : i32 to vector<16xi32>
      %eq3A_124 = arith.cmpi eq, %select_n3A_118, %eq3A_123 : vector<16xi32>
      %jit3A_125 = arith.constant -1.000000e+00 : f32
      %broadcast_in_dim3A_126 = vector.broadcast %jit3A_125 : f32 to vector<16xf32>
      %select_n3A_127 = arith.select %eq3A_124, %broadcast_in_dim3A_126, %div3A : vector<16xi1>, vector<16xf32>
      %gt3A_128 = arith.cmpf ogt, %select_n3A_127, %broadcast_in_dim3A_120 : vector<16xf32>
      %select_n3A_129 = arith.select %gt3A_128, %select_n3A_127, %broadcast_in_dim3A_120 : vector<16xi1>, vector<16xf32>
      %jit3A_130 = arith.constant 0 : i32
      %broadcast_in_dim3A_131 = vector.broadcast %jit3A_130 : i32 to vector<16xi32>
      %select_n3A_132 = arith.select %gt3A_128, %broadcast_in_dim3A_131, %broadcast_in_dim3A_122 : vector<16xi1>, vector<16xi32>
      %eq3A_133 = arith.constant 1 : i32
      %eq3A_134 = vector.broadcast %eq3A_133 : i32 to vector<16xi32>
      %eq3A_135 = arith.cmpi eq, %select_n3A_118, %eq3A_134 : vector<16xi32>
      %jit3A_136 = arith.constant -1.000000e+00 : f32
      %broadcast_in_dim3A_137 = vector.broadcast %jit3A_136 : f32 to vector<16xf32>
      %select_n3A_138 = arith.select %eq3A_135, %broadcast_in_dim3A_137, %div3A_79 : vector<16xi1>, vector<16xf32>
      %gt3A_139 = arith.cmpf ogt, %select_n3A_138, %select_n3A_129 : vector<16xf32>
      %select_n3A_140 = arith.select %gt3A_139, %select_n3A_138, %select_n3A_129 : vector<16xi1>, vector<16xf32>
      %jit3A_141 = arith.constant 1 : i32
      %broadcast_in_dim3A_142 = vector.broadcast %jit3A_141 : i32 to vector<16xi32>
      %select_n3A_143 = arith.select %gt3A_139, %broadcast_in_dim3A_142, %select_n3A_132 : vector<16xi1>, vector<16xi32>
      %eq3A_144 = arith.constant 2 : i32
      %eq3A_145 = vector.broadcast %eq3A_144 : i32 to vector<16xi32>
      %eq3A_146 = arith.cmpi eq, %select_n3A_118, %eq3A_145 : vector<16xi32>
      %jit3A_147 = arith.constant -1.000000e+00 : f32
      %broadcast_in_dim3A_148 = vector.broadcast %jit3A_147 : f32 to vector<16xf32>
      %select_n3A_149 = arith.select %eq3A_146, %broadcast_in_dim3A_148, %div3A_80 : vector<16xi1>, vector<16xf32>
      %gt3A_150 = arith.cmpf ogt, %select_n3A_149, %select_n3A_140 : vector<16xf32>
      %select_n3A_151 = arith.select %gt3A_150, %select_n3A_149, %select_n3A_140 : vector<16xi1>, vector<16xf32>
      %jit3A_152 = arith.constant 2 : i32
      %broadcast_in_dim3A_153 = vector.broadcast %jit3A_152 : i32 to vector<16xi32>
      %select_n3A_154 = arith.select %gt3A_150, %broadcast_in_dim3A_153, %select_n3A_143 : vector<16xi1>, vector<16xi32>
      %eq3A_155 = arith.constant 3 : i32
      %eq3A_156 = vector.broadcast %eq3A_155 : i32 to vector<16xi32>
      %eq3A_157 = arith.cmpi eq, %select_n3A_118, %eq3A_156 : vector<16xi32>
      %jit3A_158 = arith.constant -1.000000e+00 : f32
      %broadcast_in_dim3A_159 = vector.broadcast %jit3A_158 : f32 to vector<16xf32>
      %select_n3A_160 = arith.select %eq3A_157, %broadcast_in_dim3A_159, %div3A_81 : vector<16xi1>, vector<16xf32>
      %gt3A_161 = arith.cmpf ogt, %select_n3A_160, %select_n3A_151 : vector<16xf32>
      %select_n3A_162 = arith.select %gt3A_161, %select_n3A_160, %select_n3A_151 : vector<16xi1>, vector<16xf32>
      %jit3A_163 = arith.constant 3 : i32
      %broadcast_in_dim3A_164 = vector.broadcast %jit3A_163 : i32 to vector<16xi32>
      %select_n3A_165 = arith.select %gt3A_161, %broadcast_in_dim3A_164, %select_n3A_154 : vector<16xi1>, vector<16xi32>
      %eq3A_166 = arith.constant 4 : i32
      %eq3A_167 = vector.broadcast %eq3A_166 : i32 to vector<16xi32>
      %eq3A_168 = arith.cmpi eq, %select_n3A_118, %eq3A_167 : vector<16xi32>
      %jit3A_169 = arith.constant -1.000000e+00 : f32
      %broadcast_in_dim3A_170 = vector.broadcast %jit3A_169 : f32 to vector<16xf32>
      %select_n3A_171 = arith.select %eq3A_168, %broadcast_in_dim3A_170, %div3A_82 : vector<16xi1>, vector<16xf32>
      %gt3A_172 = arith.cmpf ogt, %select_n3A_171, %select_n3A_162 : vector<16xf32>
      %select_n3A_173 = arith.select %gt3A_172, %select_n3A_171, %select_n3A_162 : vector<16xi1>, vector<16xf32>
      %jit3A_174 = arith.constant 4 : i32
      %broadcast_in_dim3A_175 = vector.broadcast %jit3A_174 : i32 to vector<16xi32>
      %select_n3A_176 = arith.select %gt3A_172, %broadcast_in_dim3A_175, %select_n3A_165 : vector<16xi1>, vector<16xi32>
      %eq3A_177 = arith.constant 5 : i32
      %eq3A_178 = vector.broadcast %eq3A_177 : i32 to vector<16xi32>
      %eq3A_179 = arith.cmpi eq, %select_n3A_118, %eq3A_178 : vector<16xi32>
      %jit3A_180 = arith.constant -1.000000e+00 : f32
      %broadcast_in_dim3A_181 = vector.broadcast %jit3A_180 : f32 to vector<16xf32>
      %select_n3A_182 = arith.select %eq3A_179, %broadcast_in_dim3A_181, %div3A_83 : vector<16xi1>, vector<16xf32>
      %gt3A_183 = arith.cmpf ogt, %select_n3A_182, %select_n3A_173 : vector<16xf32>
      %select_n3A_184 = arith.select %gt3A_183, %select_n3A_182, %select_n3A_173 : vector<16xi1>, vector<16xf32>
      %jit3A_185 = arith.constant 5 : i32
      %broadcast_in_dim3A_186 = vector.broadcast %jit3A_185 : i32 to vector<16xi32>
      %select_n3A_187 = arith.select %gt3A_183, %broadcast_in_dim3A_186, %select_n3A_176 : vector<16xi1>, vector<16xi32>
      %eq3A_188 = arith.constant 6 : i32
      %eq3A_189 = vector.broadcast %eq3A_188 : i32 to vector<16xi32>
      %eq3A_190 = arith.cmpi eq, %select_n3A_118, %eq3A_189 : vector<16xi32>
      %jit3A_191 = arith.constant -1.000000e+00 : f32
      %broadcast_in_dim3A_192 = vector.broadcast %jit3A_191 : f32 to vector<16xf32>
      %select_n3A_193 = arith.select %eq3A_190, %broadcast_in_dim3A_192, %div3A_84 : vector<16xi1>, vector<16xf32>
      %gt3A_194 = arith.cmpf ogt, %select_n3A_193, %select_n3A_184 : vector<16xf32>
      %select_n3A_195 = arith.select %gt3A_194, %select_n3A_193, %select_n3A_184 : vector<16xi1>, vector<16xf32>
      %jit3A_196 = arith.constant 6 : i32
      %broadcast_in_dim3A_197 = vector.broadcast %jit3A_196 : i32 to vector<16xi32>
      %select_n3A_198 = arith.select %gt3A_194, %broadcast_in_dim3A_197, %select_n3A_187 : vector<16xi1>, vector<16xi32>
      %eq3A_199 = arith.constant 7 : i32
      %eq3A_200 = vector.broadcast %eq3A_199 : i32 to vector<16xi32>
      %eq3A_201 = arith.cmpi eq, %select_n3A_118, %eq3A_200 : vector<16xi32>
      %jit3A_202 = arith.constant -1.000000e+00 : f32
      %broadcast_in_dim3A_203 = vector.broadcast %jit3A_202 : f32 to vector<16xf32>
      %select_n3A_204 = arith.select %eq3A_201, %broadcast_in_dim3A_203, %div3A_85 : vector<16xi1>, vector<16xf32>
      %gt3A_205 = arith.cmpf ogt, %select_n3A_204, %select_n3A_195 : vector<16xf32>
      %select_n3A_206 = arith.select %gt3A_205, %select_n3A_204, %select_n3A_195 : vector<16xi1>, vector<16xf32>
      %jit3A_207 = arith.constant 7 : i32
      %broadcast_in_dim3A_208 = vector.broadcast %jit3A_207 : i32 to vector<16xi32>
      %select_n3A_209 = arith.select %gt3A_205, %broadcast_in_dim3A_208, %select_n3A_198 : vector<16xi1>, vector<16xi32>
      %add3A_210 = arith.addf %select_n3A_115, %select_n3A_206 : vector<16xf32>
      %add3A_211 = arith.constant 9.99999993E-9 : f32
      %add3A_212 = vector.broadcast %add3A_211 : f32 to vector<16xf32>
      %add3A_213 = arith.addf %add3A_210, %add3A_212 : vector<16xf32>
      %div3A_214 = arith.divf %select_n3A_115, %add3A_213 : vector<16xf32>
      %swap3A = arith.constant 0 : i32
      %swap3A_215 = arith.index_cast %swap3A : i32 to index
      %swap3A_216 = arith.index_cast %mul3A_12 : i32 to index
      %swap3A_217 = tpu.vector_load %arg6[%swap3A_215, %swap3A_216] {strides = array<i32>} : memref<2x1024xf32, #tpu.memory_space<vmem>>, vector<1x16xf32>,
      %swap3A_218 = vector.shape_cast %swap3A_217 : vector<1x16xf32> to vector<16xf32>
      %swap3A_219 = vector.shape_cast %div3A_214 : vector<16xf32> to vector<1x16xf32>
      tpu.vector_store %arg6[%swap3A_215, %swap3A_216], %swap3A_219 {strides = array<i32>} : memref<2x1024xf32, #tpu.memory_space<vmem>>, vector<1x16xf32>,
      %div3A_220 = arith.divf %select_n3A_206, %add3A_213 : vector<16xf32>
      %swap3A_221 = arith.constant 1 : i32
      %swap3A_222 = arith.index_cast %swap3A_221 : i32 to index
      %swap3A_223 = arith.index_cast %mul3A_12 : i32 to index
      %swap3A_224 = tpu.vector_load %arg6[%swap3A_222, %swap3A_223] {strides = array<i32>} : memref<2x1024xf32, #tpu.memory_space<vmem>>, vector<1x16xf32>,
      %swap3A_225 = vector.shape_cast %swap3A_224 : vector<1x16xf32> to vector<16xf32>
      %swap3A_226 = vector.shape_cast %div3A_220 : vector<16xf32> to vector<1x16xf32>
      tpu.vector_store %arg6[%swap3A_222, %swap3A_223], %swap3A_226 {strides = array<i32>} : memref<2x1024xf32, #tpu.memory_space<vmem>>, vector<1x16xf32>,
      %swap3A_227 = arith.constant 0 : i32
      %swap3A_228 = arith.index_cast %swap3A_227 : i32 to index
      %swap3A_229 = arith.index_cast %mul3A_12 : i32 to index
      %swap3A_230 = tpu.vector_load %arg7[%swap3A_228, %swap3A_229] {strides = array<i32>} : memref<2x1024xi32, #tpu.memory_space<vmem>>, vector<1x16xi32>,
      %swap3A_231 = vector.shape_cast %swap3A_230 : vector<1x16xi32> to vector<16xi32>
      %swap3A_232 = vector.shape_cast %select_n3A_118 : vector<16xi32> to vector<1x16xi32>
      tpu.vector_store %arg7[%swap3A_228, %swap3A_229], %swap3A_232 {strides = array<i32>} : memref<2x1024xi32, #tpu.memory_space<vmem>>, vector<1x16xi32>,
      %swap3A_233 = arith.constant 1 : i32
      %swap3A_234 = arith.index_cast %swap3A_233 : i32 to index
      %swap3A_235 = arith.index_cast %mul3A_12 : i32 to index
      %swap3A_236 = tpu.vector_load %arg7[%swap3A_234, %swap3A_235] {strides = array<i32>} : memref<2x1024xi32, #tpu.memory_space<vmem>>, vector<1x16xi32>,
      %swap3A_237 = vector.shape_cast %swap3A_236 : vector<1x16xi32> to vector<16xi32>
      %swap3A_238 = vector.shape_cast %select_n3A_209 : vector<16xi32> to vector<1x16xi32>
      tpu.vector_store %arg7[%swap3A_234, %swap3A_235], %swap3A_238 {strides = array<i32>} : memref<2x1024xi32, #tpu.memory_space<vmem>>, vector<1x16xi32>,
      %scan3A_239 = arith.constant 0 : i32
      scf.yield %scan3A_239 : i32
    }
    %scan3A_8 = arith.constant 64 : i32
    "tpu.region"() ({
      %run_scoped3A = tpu.sem_alloc : memref<!tpu.dma_semaphore, #tpu.memory_space<semaphore_mem>>
      %dma_start3A = arith.constant 0 : i32
      %dma_start3A_9 = tpu.memref_slice %arg3[%dma_start3A, %mul3A_2] : memref<2x32768xf32, #tpu.memory_space<hbm>> -> memref<2x1024xf32, #tpu.memory_space<hbm>>
      %dma_start3A_10 = arith.constant 0 : i32
      %dma_start3A_11 = tpu.memref_slice %arg3[%dma_start3A_10, %mul3A_2] : memref<2x32768xf32, #tpu.memory_space<hbm>> -> memref<2x1024xf32, #tpu.memory_space<hbm>>
      tpu.enqueue_dma source(%arg6 : memref<2x1024xf32, #tpu.memory_space<vmem>>) target(%dma_start3A_11 : memref<2x1024xf32, #tpu.memory_space<hbm>>) target_semaphore(%run_scoped3A : memref<!tpu.dma_semaphore, #tpu.memory_space<semaphore_mem>>)
      %dma_wait3A = arith.constant 0 : i32
      %dma_wait3A_12 = tpu.memref_slice %arg3[%dma_wait3A, %mul3A_2] : memref<2x32768xf32, #tpu.memory_space<hbm>> -> memref<2x1024xf32, #tpu.memory_space<hbm>>
      %dma_wait3A_13 = arith.constant 0 : i32
      %dma_wait3A_14 = tpu.memref_slice %arg3[%dma_wait3A_13, %mul3A_2] : memref<2x32768xf32, #tpu.memory_space<hbm>> -> memref<2x1024xf32, #tpu.memory_space<hbm>>
      tpu.wait_dma2 semaphore(%run_scoped3A : memref<!tpu.dma_semaphore, #tpu.memory_space<semaphore_mem>>) src(%arg6 : memref<2x1024xf32, #tpu.memory_space<vmem>>) dst(%dma_wait3A_14 : memref<2x1024xf32, #tpu.memory_space<hbm>>)
      tpu.yield
    }) : () -> ()
    "tpu.region"() ({
      %run_scoped3A = tpu.sem_alloc : memref<!tpu.dma_semaphore, #tpu.memory_space<semaphore_mem>>
      %dma_start3A = arith.constant 0 : i32
      %dma_start3A_9 = tpu.memref_slice %arg4[%dma_start3A, %mul3A_2] : memref<2x32768xi32, #tpu.memory_space<hbm>> -> memref<2x1024xi32, #tpu.memory_space<hbm>>
      %dma_start3A_10 = arith.constant 0 : i32
      %dma_start3A_11 = tpu.memref_slice %arg4[%dma_start3A_10, %mul3A_2] : memref<2x32768xi32, #tpu.memory_space<hbm>> -> memref<2x1024xi32, #tpu.memory_space<hbm>>
      tpu.enqueue_dma source(%arg7 : memref<2x1024xi32, #tpu.memory_space<vmem>>) target(%dma_start3A_11 : memref<2x1024xi32, #tpu.memory_space<hbm>>) target_semaphore(%run_scoped3A : memref<!tpu.dma_semaphore, #tpu.memory_space<semaphore_mem>>)
      %dma_wait3A = arith.constant 0 : i32
      %dma_wait3A_12 = tpu.memref_slice %arg4[%dma_wait3A, %mul3A_2] : memref<2x32768xi32, #tpu.memory_space<hbm>> -> memref<2x1024xi32, #tpu.memory_space<hbm>>
      %dma_wait3A_13 = arith.constant 0 : i32
      %dma_wait3A_14 = tpu.memref_slice %arg4[%dma_wait3A_13, %mul3A_2] : memref<2x32768xi32, #tpu.memory_space<hbm>> -> memref<2x1024xi32, #tpu.memory_space<hbm>>
      tpu.wait_dma2 semaphore(%run_scoped3A : memref<!tpu.dma_semaphore, #tpu.memory_space<semaphore_mem>>) src(%arg7 : memref<2x1024xi32, #tpu.memory_space<vmem>>) dst(%dma_wait3A_14 : memref<2x1024xi32, #tpu.memory_space<hbm>>)
      tpu.yield
    }) : () -> ()
    return
  }
}

module attributes {stable_mosaic.version = 14 : i64} {
  func.func @_logits_body(%arg0: memref<32768x1024xf32, #tpu.memory_space<hbm>>, %arg1: memref<8x1024xf32, #tpu.memory_space<vmem>>, %arg2: memref<8x32768xf32, #tpu.memory_space<vmem>>, %arg3: memref<2048x1024xf32, #tpu.memory_space<vmem>>, %arg4: memref<2048x1024xf32, #tpu.memory_space<vmem>>, %arg5: memref<2048x1024xf32, #tpu.memory_space<vmem>>, %arg6: memref<2048x1024xf32, #tpu.memory_space<vmem>>, %arg7: memref<!tpu.dma_semaphore, #tpu.memory_space<semaphore_mem>>, %arg8: memref<!tpu.dma_semaphore, #tpu.memory_space<semaphore_mem>>, %arg9: memref<!tpu.dma_semaphore, #tpu.memory_space<semaphore_mem>>, %arg10: memref<!tpu.dma_semaphore, #tpu.memory_space<semaphore_mem>>) attributes {dimension_semantics = [], scalar_prefetch = 0 : i64, scratch_operands = 8 : i64, tpu.core_type = #tpu.core_type<tc>} {
    %get3A = arith.constant 0 : index
    %get3A_0 = arith.constant 0 : index
    %get3A_1 = vector.load %arg1[%get3A, %get3A_0] : memref<8x1024xf32, #tpu.memory_space<vmem>>, vector<8x1024xf32>
    %dma_start3A = arith.constant 0 : i32
    %dma_start3A_2 = arith.constant 0 : i32
    %dma_start3A_3 = tpu.memref_slice %arg0[%dma_start3A, %dma_start3A_2] : memref<32768x1024xf32, #tpu.memory_space<hbm>> -> memref<2048x1024xf32, #tpu.memory_space<hbm>>
    tpu.enqueue_dma source(%dma_start3A_3 : memref<2048x1024xf32, #tpu.memory_space<hbm>>) target(%arg3 : memref<2048x1024xf32, #tpu.memory_space<vmem>>) target_semaphore(%arg7 : memref<!tpu.dma_semaphore, #tpu.memory_space<semaphore_mem>>)
    %dma_start3A_4 = arith.constant 2048 : i32
    %dma_start3A_5 = arith.constant 0 : i32
    %dma_start3A_6 = tpu.memref_slice %arg0[%dma_start3A_4, %dma_start3A_5] : memref<32768x1024xf32, #tpu.memory_space<hbm>> -> memref<2048x1024xf32, #tpu.memory_space<hbm>>
    tpu.enqueue_dma source(%dma_start3A_6 : memref<2048x1024xf32, #tpu.memory_space<hbm>>) target(%arg4 : memref<2048x1024xf32, #tpu.memory_space<vmem>>) target_semaphore(%arg8 : memref<!tpu.dma_semaphore, #tpu.memory_space<semaphore_mem>>)
    %dma_start3A_7 = arith.constant 4096 : i32
    %dma_start3A_8 = arith.constant 0 : i32
    %dma_start3A_9 = tpu.memref_slice %arg0[%dma_start3A_7, %dma_start3A_8] : memref<32768x1024xf32, #tpu.memory_space<hbm>> -> memref<2048x1024xf32, #tpu.memory_space<hbm>>
    tpu.enqueue_dma source(%dma_start3A_9 : memref<2048x1024xf32, #tpu.memory_space<hbm>>) target(%arg5 : memref<2048x1024xf32, #tpu.memory_space<vmem>>) target_semaphore(%arg9 : memref<!tpu.dma_semaphore, #tpu.memory_space<semaphore_mem>>)
    %dma_start3A_10 = arith.constant 6144 : i32
    %dma_start3A_11 = arith.constant 0 : i32
    %dma_start3A_12 = tpu.memref_slice %arg0[%dma_start3A_10, %dma_start3A_11] : memref<32768x1024xf32, #tpu.memory_space<hbm>> -> memref<2048x1024xf32, #tpu.memory_space<hbm>>
    tpu.enqueue_dma source(%dma_start3A_12 : memref<2048x1024xf32, #tpu.memory_space<hbm>>) target(%arg6 : memref<2048x1024xf32, #tpu.memory_space<vmem>>) target_semaphore(%arg10 : memref<!tpu.dma_semaphore, #tpu.memory_space<semaphore_mem>>)
    %dma_wait3A = arith.constant 0 : i32
    %dma_wait3A_13 = arith.constant 0 : i32
    %dma_wait3A_14 = tpu.memref_slice %arg0[%dma_wait3A, %dma_wait3A_13] : memref<32768x1024xf32, #tpu.memory_space<hbm>> -> memref<2048x1024xf32, #tpu.memory_space<hbm>>
    tpu.wait_dma2 semaphore(%arg7 : memref<!tpu.dma_semaphore, #tpu.memory_space<semaphore_mem>>) src(%dma_wait3A_14 : memref<2048x1024xf32, #tpu.memory_space<hbm>>) dst(%arg3 : memref<2048x1024xf32, #tpu.memory_space<vmem>>)
    %get3A_15 = arith.constant 0 : index
    %get3A_16 = arith.constant 0 : index
    %get3A_17 = vector.load %arg3[%get3A_15, %get3A_16] : memref<2048x1024xf32, #tpu.memory_space<vmem>>, vector<2048x1024xf32>
    %dot_general3A = arith.constant dense<0.000000e+00> : vector<8x2048xf32>
    %dot_general3A_18 = tpu.matmul %get3A_1, %get3A_17, %dot_general3A {dimension_numbers = #tpu.dot_dimension_numbers<[1], [1], [0], [0], [0, 0, 1, 0], [], []>, transpose_lhs_hint = false} : vector<8x1024xf32>, vector<2048x1024xf32>, vector<8x2048xf32> -> vector<8x2048xf32>
    %swap3A = arith.constant 0 : index
    %swap3A_19 = arith.constant 0 : index
    %swap3A_20 = vector.load %arg2[%swap3A, %swap3A_19] : memref<8x32768xf32, #tpu.memory_space<vmem>>, vector<8x2048xf32>
    tpu.vector_store %arg2[%swap3A, %swap3A_19], %dot_general3A_18 {strides = array<i32>} : memref<8x32768xf32, #tpu.memory_space<vmem>>, vector<8x2048xf32>,
    %dma_start3A_21 = arith.constant 8192 : i32
    %dma_start3A_22 = arith.constant 0 : i32
    %dma_start3A_23 = tpu.memref_slice %arg0[%dma_start3A_21, %dma_start3A_22] : memref<32768x1024xf32, #tpu.memory_space<hbm>> -> memref<2048x1024xf32, #tpu.memory_space<hbm>>
    tpu.enqueue_dma source(%dma_start3A_23 : memref<2048x1024xf32, #tpu.memory_space<hbm>>) target(%arg3 : memref<2048x1024xf32, #tpu.memory_space<vmem>>) target_semaphore(%arg7 : memref<!tpu.dma_semaphore, #tpu.memory_space<semaphore_mem>>)
    %dma_wait3A_24 = arith.constant 2048 : i32
    %dma_wait3A_25 = arith.constant 0 : i32
    %dma_wait3A_26 = tpu.memref_slice %arg0[%dma_wait3A_24, %dma_wait3A_25] : memref<32768x1024xf32, #tpu.memory_space<hbm>> -> memref<2048x1024xf32, #tpu.memory_space<hbm>>
    tpu.wait_dma2 semaphore(%arg8 : memref<!tpu.dma_semaphore, #tpu.memory_space<semaphore_mem>>) src(%dma_wait3A_26 : memref<2048x1024xf32, #tpu.memory_space<hbm>>) dst(%arg4 : memref<2048x1024xf32, #tpu.memory_space<vmem>>)
    %get3A_27 = arith.constant 0 : index
    %get3A_28 = arith.constant 0 : index
    %get3A_29 = vector.load %arg4[%get3A_27, %get3A_28] : memref<2048x1024xf32, #tpu.memory_space<vmem>>, vector<2048x1024xf32>
    %dot_general3A_30 = arith.constant dense<0.000000e+00> : vector<8x2048xf32>
    %dot_general3A_31 = tpu.matmul %get3A_1, %get3A_29, %dot_general3A_30 {dimension_numbers = #tpu.dot_dimension_numbers<[1], [1], [0], [0], [0, 0, 1, 0], [], []>, transpose_lhs_hint = false} : vector<8x1024xf32>, vector<2048x1024xf32>, vector<8x2048xf32> -> vector<8x2048xf32>
    %swap3A_32 = arith.constant 0 : index
    %swap3A_33 = arith.constant 2048 : index
    %swap3A_34 = vector.load %arg2[%swap3A_32, %swap3A_33] : memref<8x32768xf32, #tpu.memory_space<vmem>>, vector<8x2048xf32>
    tpu.vector_store %arg2[%swap3A_32, %swap3A_33], %dot_general3A_31 {strides = array<i32>} : memref<8x32768xf32, #tpu.memory_space<vmem>>, vector<8x2048xf32>,
    %dma_start3A_35 = arith.constant 10240 : i32
    %dma_start3A_36 = arith.constant 0 : i32
    %dma_start3A_37 = tpu.memref_slice %arg0[%dma_start3A_35, %dma_start3A_36] : memref<32768x1024xf32, #tpu.memory_space<hbm>> -> memref<2048x1024xf32, #tpu.memory_space<hbm>>
    tpu.enqueue_dma source(%dma_start3A_37 : memref<2048x1024xf32, #tpu.memory_space<hbm>>) target(%arg4 : memref<2048x1024xf32, #tpu.memory_space<vmem>>) target_semaphore(%arg8 : memref<!tpu.dma_semaphore, #tpu.memory_space<semaphore_mem>>)
    %dma_wait3A_38 = arith.constant 4096 : i32
    %dma_wait3A_39 = arith.constant 0 : i32
    %dma_wait3A_40 = tpu.memref_slice %arg0[%dma_wait3A_38, %dma_wait3A_39] : memref<32768x1024xf32, #tpu.memory_space<hbm>> -> memref<2048x1024xf32, #tpu.memory_space<hbm>>
    tpu.wait_dma2 semaphore(%arg9 : memref<!tpu.dma_semaphore, #tpu.memory_space<semaphore_mem>>) src(%dma_wait3A_40 : memref<2048x1024xf32, #tpu.memory_space<hbm>>) dst(%arg5 : memref<2048x1024xf32, #tpu.memory_space<vmem>>)
    %get3A_41 = arith.constant 0 : index
    %get3A_42 = arith.constant 0 : index
    %get3A_43 = vector.load %arg5[%get3A_41, %get3A_42] : memref<2048x1024xf32, #tpu.memory_space<vmem>>, vector<2048x1024xf32>
    %dot_general3A_44 = arith.constant dense<0.000000e+00> : vector<8x2048xf32>
    %dot_general3A_45 = tpu.matmul %get3A_1, %get3A_43, %dot_general3A_44 {dimension_numbers = #tpu.dot_dimension_numbers<[1], [1], [0], [0], [0, 0, 1, 0], [], []>, transpose_lhs_hint = false} : vector<8x1024xf32>, vector<2048x1024xf32>, vector<8x2048xf32> -> vector<8x2048xf32>
    %swap3A_46 = arith.constant 0 : index
    %swap3A_47 = arith.constant 4096 : index
    %swap3A_48 = vector.load %arg2[%swap3A_46, %swap3A_47] : memref<8x32768xf32, #tpu.memory_space<vmem>>, vector<8x2048xf32>
    tpu.vector_store %arg2[%swap3A_46, %swap3A_47], %dot_general3A_45 {strides = array<i32>} : memref<8x32768xf32, #tpu.memory_space<vmem>>, vector<8x2048xf32>,
    %dma_start3A_49 = arith.constant 12288 : i32
    %dma_start3A_50 = arith.constant 0 : i32
    %dma_start3A_51 = tpu.memref_slice %arg0[%dma_start3A_49, %dma_start3A_50] : memref<32768x1024xf32, #tpu.memory_space<hbm>> -> memref<2048x1024xf32, #tpu.memory_space<hbm>>
    tpu.enqueue_dma source(%dma_start3A_51 : memref<2048x1024xf32, #tpu.memory_space<hbm>>) target(%arg5 : memref<2048x1024xf32, #tpu.memory_space<vmem>>) target_semaphore(%arg9 : memref<!tpu.dma_semaphore, #tpu.memory_space<semaphore_mem>>)
    %dma_wait3A_52 = arith.constant 6144 : i32
    %dma_wait3A_53 = arith.constant 0 : i32
    %dma_wait3A_54 = tpu.memref_slice %arg0[%dma_wait3A_52, %dma_wait3A_53] : memref<32768x1024xf32, #tpu.memory_space<hbm>> -> memref<2048x1024xf32, #tpu.memory_space<hbm>>
    tpu.wait_dma2 semaphore(%arg10 : memref<!tpu.dma_semaphore, #tpu.memory_space<semaphore_mem>>) src(%dma_wait3A_54 : memref<2048x1024xf32, #tpu.memory_space<hbm>>) dst(%arg6 : memref<2048x1024xf32, #tpu.memory_space<vmem>>)
    %get3A_55 = arith.constant 0 : index
    %get3A_56 = arith.constant 0 : index
    %get3A_57 = vector.load %arg6[%get3A_55, %get3A_56] : memref<2048x1024xf32, #tpu.memory_space<vmem>>, vector<2048x1024xf32>
    %dot_general3A_58 = arith.constant dense<0.000000e+00> : vector<8x2048xf32>
    %dot_general3A_59 = tpu.matmul %get3A_1, %get3A_57, %dot_general3A_58 {dimension_numbers = #tpu.dot_dimension_numbers<[1], [1], [0], [0], [0, 0, 1, 0], [], []>, transpose_lhs_hint = false} : vector<8x1024xf32>, vector<2048x1024xf32>, vector<8x2048xf32> -> vector<8x2048xf32>
    %swap3A_60 = arith.constant 0 : index
    %swap3A_61 = arith.constant 6144 : index
    %swap3A_62 = vector.load %arg2[%swap3A_60, %swap3A_61] : memref<8x32768xf32, #tpu.memory_space<vmem>>, vector<8x2048xf32>
    tpu.vector_store %arg2[%swap3A_60, %swap3A_61], %dot_general3A_59 {strides = array<i32>} : memref<8x32768xf32, #tpu.memory_space<vmem>>, vector<8x2048xf32>,
    %dma_start3A_63 = arith.constant 14336 : i32
    %dma_start3A_64 = arith.constant 0 : i32
    %dma_start3A_65 = tpu.memref_slice %arg0[%dma_start3A_63, %dma_start3A_64] : memref<32768x1024xf32, #tpu.memory_space<hbm>> -> memref<2048x1024xf32, #tpu.memory_space<hbm>>
    tpu.enqueue_dma source(%dma_start3A_65 : memref<2048x1024xf32, #tpu.memory_space<hbm>>) target(%arg6 : memref<2048x1024xf32, #tpu.memory_space<vmem>>) target_semaphore(%arg10 : memref<!tpu.dma_semaphore, #tpu.memory_space<semaphore_mem>>)
    %dma_wait3A_66 = arith.constant 8192 : i32
    %dma_wait3A_67 = arith.constant 0 : i32
    %dma_wait3A_68 = tpu.memref_slice %arg0[%dma_wait3A_66, %dma_wait3A_67] : memref<32768x1024xf32, #tpu.memory_space<hbm>> -> memref<2048x1024xf32, #tpu.memory_space<hbm>>
    tpu.wait_dma2 semaphore(%arg7 : memref<!tpu.dma_semaphore, #tpu.memory_space<semaphore_mem>>) src(%dma_wait3A_68 : memref<2048x1024xf32, #tpu.memory_space<hbm>>) dst(%arg3 : memref<2048x1024xf32, #tpu.memory_space<vmem>>)
    %get3A_69 = arith.constant 0 : index
    %get3A_70 = arith.constant 0 : index
    %get3A_71 = vector.load %arg3[%get3A_69, %get3A_70] : memref<2048x1024xf32, #tpu.memory_space<vmem>>, vector<2048x1024xf32>
    %dot_general3A_72 = arith.constant dense<0.000000e+00> : vector<8x2048xf32>
    %dot_general3A_73 = tpu.matmul %get3A_1, %get3A_71, %dot_general3A_72 {dimension_numbers = #tpu.dot_dimension_numbers<[1], [1], [0], [0], [0, 0, 1, 0], [], []>, transpose_lhs_hint = false} : vector<8x1024xf32>, vector<2048x1024xf32>, vector<8x2048xf32> -> vector<8x2048xf32>
    %swap3A_74 = arith.constant 0 : index
    %swap3A_75 = arith.constant 8192 : index
    %swap3A_76 = vector.load %arg2[%swap3A_74, %swap3A_75] : memref<8x32768xf32, #tpu.memory_space<vmem>>, vector<8x2048xf32>
    tpu.vector_store %arg2[%swap3A_74, %swap3A_75], %dot_general3A_73 {strides = array<i32>} : memref<8x32768xf32, #tpu.memory_space<vmem>>, vector<8x2048xf32>,
    %dma_start3A_77 = arith.constant 16384 : i32
    %dma_start3A_78 = arith.constant 0 : i32
    %dma_start3A_79 = tpu.memref_slice %arg0[%dma_start3A_77, %dma_start3A_78] : memref<32768x1024xf32, #tpu.memory_space<hbm>> -> memref<2048x1024xf32, #tpu.memory_space<hbm>>
    tpu.enqueue_dma source(%dma_start3A_79 : memref<2048x1024xf32, #tpu.memory_space<hbm>>) target(%arg3 : memref<2048x1024xf32, #tpu.memory_space<vmem>>) target_semaphore(%arg7 : memref<!tpu.dma_semaphore, #tpu.memory_space<semaphore_mem>>)
    %dma_wait3A_80 = arith.constant 10240 : i32
    %dma_wait3A_81 = arith.constant 0 : i32
    %dma_wait3A_82 = tpu.memref_slice %arg0[%dma_wait3A_80, %dma_wait3A_81] : memref<32768x1024xf32, #tpu.memory_space<hbm>> -> memref<2048x1024xf32, #tpu.memory_space<hbm>>
    tpu.wait_dma2 semaphore(%arg8 : memref<!tpu.dma_semaphore, #tpu.memory_space<semaphore_mem>>) src(%dma_wait3A_82 : memref<2048x1024xf32, #tpu.memory_space<hbm>>) dst(%arg4 : memref<2048x1024xf32, #tpu.memory_space<vmem>>)
    %get3A_83 = arith.constant 0 : index
    %get3A_84 = arith.constant 0 : index
    %get3A_85 = vector.load %arg4[%get3A_83, %get3A_84] : memref<2048x1024xf32, #tpu.memory_space<vmem>>, vector<2048x1024xf32>
    %dot_general3A_86 = arith.constant dense<0.000000e+00> : vector<8x2048xf32>
    %dot_general3A_87 = tpu.matmul %get3A_1, %get3A_85, %dot_general3A_86 {dimension_numbers = #tpu.dot_dimension_numbers<[1], [1], [0], [0], [0, 0, 1, 0], [], []>, transpose_lhs_hint = false} : vector<8x1024xf32>, vector<2048x1024xf32>, vector<8x2048xf32> -> vector<8x2048xf32>
    %swap3A_88 = arith.constant 0 : index
    %swap3A_89 = arith.constant 10240 : index
    %swap3A_90 = vector.load %arg2[%swap3A_88, %swap3A_89] : memref<8x32768xf32, #tpu.memory_space<vmem>>, vector<8x2048xf32>
    tpu.vector_store %arg2[%swap3A_88, %swap3A_89], %dot_general3A_87 {strides = array<i32>} : memref<8x32768xf32, #tpu.memory_space<vmem>>, vector<8x2048xf32>,
    %dma_start3A_91 = arith.constant 18432 : i32
    %dma_start3A_92 = arith.constant 0 : i32
    %dma_start3A_93 = tpu.memref_slice %arg0[%dma_start3A_91, %dma_start3A_92] : memref<32768x1024xf32, #tpu.memory_space<hbm>> -> memref<2048x1024xf32, #tpu.memory_space<hbm>>
    tpu.enqueue_dma source(%dma_start3A_93 : memref<2048x1024xf32, #tpu.memory_space<hbm>>) target(%arg4 : memref<2048x1024xf32, #tpu.memory_space<vmem>>) target_semaphore(%arg8 : memref<!tpu.dma_semaphore, #tpu.memory_space<semaphore_mem>>)
    %dma_wait3A_94 = arith.constant 12288 : i32
    %dma_wait3A_95 = arith.constant 0 : i32
    %dma_wait3A_96 = tpu.memref_slice %arg0[%dma_wait3A_94, %dma_wait3A_95] : memref<32768x1024xf32, #tpu.memory_space<hbm>> -> memref<2048x1024xf32, #tpu.memory_space<hbm>>
    tpu.wait_dma2 semaphore(%arg9 : memref<!tpu.dma_semaphore, #tpu.memory_space<semaphore_mem>>) src(%dma_wait3A_96 : memref<2048x1024xf32, #tpu.memory_space<hbm>>) dst(%arg5 : memref<2048x1024xf32, #tpu.memory_space<vmem>>)
    %get3A_97 = arith.constant 0 : index
    %get3A_98 = arith.constant 0 : index
    %get3A_99 = vector.load %arg5[%get3A_97, %get3A_98] : memref<2048x1024xf32, #tpu.memory_space<vmem>>, vector<2048x1024xf32>
    %dot_general3A_100 = arith.constant dense<0.000000e+00> : vector<8x2048xf32>
    %dot_general3A_101 = tpu.matmul %get3A_1, %get3A_99, %dot_general3A_100 {dimension_numbers = #tpu.dot_dimension_numbers<[1], [1], [0], [0], [0, 0, 1, 0], [], []>, transpose_lhs_hint = false} : vector<8x1024xf32>, vector<2048x1024xf32>, vector<8x2048xf32> -> vector<8x2048xf32>
    %swap3A_102 = arith.constant 0 : index
    %swap3A_103 = arith.constant 12288 : index
    %swap3A_104 = vector.load %arg2[%swap3A_102, %swap3A_103] : memref<8x32768xf32, #tpu.memory_space<vmem>>, vector<8x2048xf32>
    tpu.vector_store %arg2[%swap3A_102, %swap3A_103], %dot_general3A_101 {strides = array<i32>} : memref<8x32768xf32, #tpu.memory_space<vmem>>, vector<8x2048xf32>,
    %dma_start3A_105 = arith.constant 20480 : i32
    %dma_start3A_106 = arith.constant 0 : i32
    %dma_start3A_107 = tpu.memref_slice %arg0[%dma_start3A_105, %dma_start3A_106] : memref<32768x1024xf32, #tpu.memory_space<hbm>> -> memref<2048x1024xf32, #tpu.memory_space<hbm>>
    tpu.enqueue_dma source(%dma_start3A_107 : memref<2048x1024xf32, #tpu.memory_space<hbm>>) target(%arg5 : memref<2048x1024xf32, #tpu.memory_space<vmem>>) target_semaphore(%arg9 : memref<!tpu.dma_semaphore, #tpu.memory_space<semaphore_mem>>)
    %dma_wait3A_108 = arith.constant 14336 : i32
    %dma_wait3A_109 = arith.constant 0 : i32
    %dma_wait3A_110 = tpu.memref_slice %arg0[%dma_wait3A_108, %dma_wait3A_109] : memref<32768x1024xf32, #tpu.memory_space<hbm>> -> memref<2048x1024xf32, #tpu.memory_space<hbm>>
    tpu.wait_dma2 semaphore(%arg10 : memref<!tpu.dma_semaphore, #tpu.memory_space<semaphore_mem>>) src(%dma_wait3A_110 : memref<2048x1024xf32, #tpu.memory_space<hbm>>) dst(%arg6 : memref<2048x1024xf32, #tpu.memory_space<vmem>>)
    %get3A_111 = arith.constant 0 : index
    %get3A_112 = arith.constant 0 : index
    %get3A_113 = vector.load %arg6[%get3A_111, %get3A_112] : memref<2048x1024xf32, #tpu.memory_space<vmem>>, vector<2048x1024xf32>
    %dot_general3A_114 = arith.constant dense<0.000000e+00> : vector<8x2048xf32>
    %dot_general3A_115 = tpu.matmul %get3A_1, %get3A_113, %dot_general3A_114 {dimension_numbers = #tpu.dot_dimension_numbers<[1], [1], [0], [0], [0, 0, 1, 0], [], []>, transpose_lhs_hint = false} : vector<8x1024xf32>, vector<2048x1024xf32>, vector<8x2048xf32> -> vector<8x2048xf32>
    %swap3A_116 = arith.constant 0 : index
    %swap3A_117 = arith.constant 14336 : index
    %swap3A_118 = vector.load %arg2[%swap3A_116, %swap3A_117] : memref<8x32768xf32, #tpu.memory_space<vmem>>, vector<8x2048xf32>
    tpu.vector_store %arg2[%swap3A_116, %swap3A_117], %dot_general3A_115 {strides = array<i32>} : memref<8x32768xf32, #tpu.memory_space<vmem>>, vector<8x2048xf32>,
    %dma_start3A_119 = arith.constant 22528 : i32
    %dma_start3A_120 = arith.constant 0 : i32
    %dma_start3A_121 = tpu.memref_slice %arg0[%dma_start3A_119, %dma_start3A_120] : memref<32768x1024xf32, #tpu.memory_space<hbm>> -> memref<2048x1024xf32, #tpu.memory_space<hbm>>
    tpu.enqueue_dma source(%dma_start3A_121 : memref<2048x1024xf32, #tpu.memory_space<hbm>>) target(%arg6 : memref<2048x1024xf32, #tpu.memory_space<vmem>>) target_semaphore(%arg10 : memref<!tpu.dma_semaphore, #tpu.memory_space<semaphore_mem>>)
    %dma_wait3A_122 = arith.constant 16384 : i32
    %dma_wait3A_123 = arith.constant 0 : i32
    %dma_wait3A_124 = tpu.memref_slice %arg0[%dma_wait3A_122, %dma_wait3A_123] : memref<32768x1024xf32, #tpu.memory_space<hbm>> -> memref<2048x1024xf32, #tpu.memory_space<hbm>>
    tpu.wait_dma2 semaphore(%arg7 : memref<!tpu.dma_semaphore, #tpu.memory_space<semaphore_mem>>) src(%dma_wait3A_124 : memref<2048x1024xf32, #tpu.memory_space<hbm>>) dst(%arg3 : memref<2048x1024xf32, #tpu.memory_space<vmem>>)
    %get3A_125 = arith.constant 0 : index
    %get3A_126 = arith.constant 0 : index
    %get3A_127 = vector.load %arg3[%get3A_125, %get3A_126] : memref<2048x1024xf32, #tpu.memory_space<vmem>>, vector<2048x1024xf32>
    %dot_general3A_128 = arith.constant dense<0.000000e+00> : vector<8x2048xf32>
    %dot_general3A_129 = tpu.matmul %get3A_1, %get3A_127, %dot_general3A_128 {dimension_numbers = #tpu.dot_dimension_numbers<[1], [1], [0], [0], [0, 0, 1, 0], [], []>, transpose_lhs_hint = false} : vector<8x1024xf32>, vector<2048x1024xf32>, vector<8x2048xf32> -> vector<8x2048xf32>
    %swap3A_130 = arith.constant 0 : index
    %swap3A_131 = arith.constant 16384 : index
    %swap3A_132 = vector.load %arg2[%swap3A_130, %swap3A_131] : memref<8x32768xf32, #tpu.memory_space<vmem>>, vector<8x2048xf32>
    tpu.vector_store %arg2[%swap3A_130, %swap3A_131], %dot_general3A_129 {strides = array<i32>} : memref<8x32768xf32, #tpu.memory_space<vmem>>, vector<8x2048xf32>,
    %dma_start3A_133 = arith.constant 24576 : i32
    %dma_start3A_134 = arith.constant 0 : i32
    %dma_start3A_135 = tpu.memref_slice %arg0[%dma_start3A_133, %dma_start3A_134] : memref<32768x1024xf32, #tpu.memory_space<hbm>> -> memref<2048x1024xf32, #tpu.memory_space<hbm>>
    tpu.enqueue_dma source(%dma_start3A_135 : memref<2048x1024xf32, #tpu.memory_space<hbm>>) target(%arg3 : memref<2048x1024xf32, #tpu.memory_space<vmem>>) target_semaphore(%arg7 : memref<!tpu.dma_semaphore, #tpu.memory_space<semaphore_mem>>)
    %dma_wait3A_136 = arith.constant 18432 : i32
    %dma_wait3A_137 = arith.constant 0 : i32
    %dma_wait3A_138 = tpu.memref_slice %arg0[%dma_wait3A_136, %dma_wait3A_137] : memref<32768x1024xf32, #tpu.memory_space<hbm>> -> memref<2048x1024xf32, #tpu.memory_space<hbm>>
    tpu.wait_dma2 semaphore(%arg8 : memref<!tpu.dma_semaphore, #tpu.memory_space<semaphore_mem>>) src(%dma_wait3A_138 : memref<2048x1024xf32, #tpu.memory_space<hbm>>) dst(%arg4 : memref<2048x1024xf32, #tpu.memory_space<vmem>>)
    %get3A_139 = arith.constant 0 : index
    %get3A_140 = arith.constant 0 : index
    %get3A_141 = vector.load %arg4[%get3A_139, %get3A_140] : memref<2048x1024xf32, #tpu.memory_space<vmem>>, vector<2048x1024xf32>
    %dot_general3A_142 = arith.constant dense<0.000000e+00> : vector<8x2048xf32>
    %dot_general3A_143 = tpu.matmul %get3A_1, %get3A_141, %dot_general3A_142 {dimension_numbers = #tpu.dot_dimension_numbers<[1], [1], [0], [0], [0, 0, 1, 0], [], []>, transpose_lhs_hint = false} : vector<8x1024xf32>, vector<2048x1024xf32>, vector<8x2048xf32> -> vector<8x2048xf32>
    %swap3A_144 = arith.constant 0 : index
    %swap3A_145 = arith.constant 18432 : index
    %swap3A_146 = vector.load %arg2[%swap3A_144, %swap3A_145] : memref<8x32768xf32, #tpu.memory_space<vmem>>, vector<8x2048xf32>
    tpu.vector_store %arg2[%swap3A_144, %swap3A_145], %dot_general3A_143 {strides = array<i32>} : memref<8x32768xf32, #tpu.memory_space<vmem>>, vector<8x2048xf32>,
    %dma_start3A_147 = arith.constant 26624 : i32
    %dma_start3A_148 = arith.constant 0 : i32
    %dma_start3A_149 = tpu.memref_slice %arg0[%dma_start3A_147, %dma_start3A_148] : memref<32768x1024xf32, #tpu.memory_space<hbm>> -> memref<2048x1024xf32, #tpu.memory_space<hbm>>
    tpu.enqueue_dma source(%dma_start3A_149 : memref<2048x1024xf32, #tpu.memory_space<hbm>>) target(%arg4 : memref<2048x1024xf32, #tpu.memory_space<vmem>>) target_semaphore(%arg8 : memref<!tpu.dma_semaphore, #tpu.memory_space<semaphore_mem>>)
    %dma_wait3A_150 = arith.constant 20480 : i32
    %dma_wait3A_151 = arith.constant 0 : i32
    %dma_wait3A_152 = tpu.memref_slice %arg0[%dma_wait3A_150, %dma_wait3A_151] : memref<32768x1024xf32, #tpu.memory_space<hbm>> -> memref<2048x1024xf32, #tpu.memory_space<hbm>>
    tpu.wait_dma2 semaphore(%arg9 : memref<!tpu.dma_semaphore, #tpu.memory_space<semaphore_mem>>) src(%dma_wait3A_152 : memref<2048x1024xf32, #tpu.memory_space<hbm>>) dst(%arg5 : memref<2048x1024xf32, #tpu.memory_space<vmem>>)
    %get3A_153 = arith.constant 0 : index
    %get3A_154 = arith.constant 0 : index
    %get3A_155 = vector.load %arg5[%get3A_153, %get3A_154] : memref<2048x1024xf32, #tpu.memory_space<vmem>>, vector<2048x1024xf32>
    %dot_general3A_156 = arith.constant dense<0.000000e+00> : vector<8x2048xf32>
    %dot_general3A_157 = tpu.matmul %get3A_1, %get3A_155, %dot_general3A_156 {dimension_numbers = #tpu.dot_dimension_numbers<[1], [1], [0], [0], [0, 0, 1, 0], [], []>, transpose_lhs_hint = false} : vector<8x1024xf32>, vector<2048x1024xf32>, vector<8x2048xf32> -> vector<8x2048xf32>
    %swap3A_158 = arith.constant 0 : index
    %swap3A_159 = arith.constant 20480 : index
    %swap3A_160 = vector.load %arg2[%swap3A_158, %swap3A_159] : memref<8x32768xf32, #tpu.memory_space<vmem>>, vector<8x2048xf32>
    tpu.vector_store %arg2[%swap3A_158, %swap3A_159], %dot_general3A_157 {strides = array<i32>} : memref<8x32768xf32, #tpu.memory_space<vmem>>, vector<8x2048xf32>,
    %dma_start3A_161 = arith.constant 28672 : i32
    %dma_start3A_162 = arith.constant 0 : i32
    %dma_start3A_163 = tpu.memref_slice %arg0[%dma_start3A_161, %dma_start3A_162] : memref<32768x1024xf32, #tpu.memory_space<hbm>> -> memref<2048x1024xf32, #tpu.memory_space<hbm>>
    tpu.enqueue_dma source(%dma_start3A_163 : memref<2048x1024xf32, #tpu.memory_space<hbm>>) target(%arg5 : memref<2048x1024xf32, #tpu.memory_space<vmem>>) target_semaphore(%arg9 : memref<!tpu.dma_semaphore, #tpu.memory_space<semaphore_mem>>)
    %dma_wait3A_164 = arith.constant 22528 : i32
    %dma_wait3A_165 = arith.constant 0 : i32
    %dma_wait3A_166 = tpu.memref_slice %arg0[%dma_wait3A_164, %dma_wait3A_165] : memref<32768x1024xf32, #tpu.memory_space<hbm>> -> memref<2048x1024xf32, #tpu.memory_space<hbm>>
    tpu.wait_dma2 semaphore(%arg10 : memref<!tpu.dma_semaphore, #tpu.memory_space<semaphore_mem>>) src(%dma_wait3A_166 : memref<2048x1024xf32, #tpu.memory_space<hbm>>) dst(%arg6 : memref<2048x1024xf32, #tpu.memory_space<vmem>>)
    %get3A_167 = arith.constant 0 : index
    %get3A_168 = arith.constant 0 : index
    %get3A_169 = vector.load %arg6[%get3A_167, %get3A_168] : memref<2048x1024xf32, #tpu.memory_space<vmem>>, vector<2048x1024xf32>
    %dot_general3A_170 = arith.constant dense<0.000000e+00> : vector<8x2048xf32>
    %dot_general3A_171 = tpu.matmul %get3A_1, %get3A_169, %dot_general3A_170 {dimension_numbers = #tpu.dot_dimension_numbers<[1], [1], [0], [0], [0, 0, 1, 0], [], []>, transpose_lhs_hint = false} : vector<8x1024xf32>, vector<2048x1024xf32>, vector<8x2048xf32> -> vector<8x2048xf32>
    %swap3A_172 = arith.constant 0 : index
    %swap3A_173 = arith.constant 22528 : index
    %swap3A_174 = vector.load %arg2[%swap3A_172, %swap3A_173] : memref<8x32768xf32, #tpu.memory_space<vmem>>, vector<8x2048xf32>
    tpu.vector_store %arg2[%swap3A_172, %swap3A_173], %dot_general3A_171 {strides = array<i32>} : memref<8x32768xf32, #tpu.memory_space<vmem>>, vector<8x2048xf32>,
    %dma_start3A_175 = arith.constant 30720 : i32
    %dma_start3A_176 = arith.constant 0 : i32
    %dma_start3A_177 = tpu.memref_slice %arg0[%dma_start3A_175, %dma_start3A_176] : memref<32768x1024xf32, #tpu.memory_space<hbm>> -> memref<2048x1024xf32, #tpu.memory_space<hbm>>
    tpu.enqueue_dma source(%dma_start3A_177 : memref<2048x1024xf32, #tpu.memory_space<hbm>>) target(%arg6 : memref<2048x1024xf32, #tpu.memory_space<vmem>>) target_semaphore(%arg10 : memref<!tpu.dma_semaphore, #tpu.memory_space<semaphore_mem>>)
    %dma_wait3A_178 = arith.constant 24576 : i32
    %dma_wait3A_179 = arith.constant 0 : i32
    %dma_wait3A_180 = tpu.memref_slice %arg0[%dma_wait3A_178, %dma_wait3A_179] : memref<32768x1024xf32, #tpu.memory_space<hbm>> -> memref<2048x1024xf32, #tpu.memory_space<hbm>>
    tpu.wait_dma2 semaphore(%arg7 : memref<!tpu.dma_semaphore, #tpu.memory_space<semaphore_mem>>) src(%dma_wait3A_180 : memref<2048x1024xf32, #tpu.memory_space<hbm>>) dst(%arg3 : memref<2048x1024xf32, #tpu.memory_space<vmem>>)
    %get3A_181 = arith.constant 0 : index
    %get3A_182 = arith.constant 0 : index
    %get3A_183 = vector.load %arg3[%get3A_181, %get3A_182] : memref<2048x1024xf32, #tpu.memory_space<vmem>>, vector<2048x1024xf32>
    %dot_general3A_184 = arith.constant dense<0.000000e+00> : vector<8x2048xf32>
    %dot_general3A_185 = tpu.matmul %get3A_1, %get3A_183, %dot_general3A_184 {dimension_numbers = #tpu.dot_dimension_numbers<[1], [1], [0], [0], [0, 0, 1, 0], [], []>, transpose_lhs_hint = false} : vector<8x1024xf32>, vector<2048x1024xf32>, vector<8x2048xf32> -> vector<8x2048xf32>
    %swap3A_186 = arith.constant 0 : index
    %swap3A_187 = arith.constant 24576 : index
    %swap3A_188 = vector.load %arg2[%swap3A_186, %swap3A_187] : memref<8x32768xf32, #tpu.memory_space<vmem>>, vector<8x2048xf32>
    tpu.vector_store %arg2[%swap3A_186, %swap3A_187], %dot_general3A_185 {strides = array<i32>} : memref<8x32768xf32, #tpu.memory_space<vmem>>, vector<8x2048xf32>,
    %dma_wait3A_189 = arith.constant 26624 : i32
    %dma_wait3A_190 = arith.constant 0 : i32
    %dma_wait3A_191 = tpu.memref_slice %arg0[%dma_wait3A_189, %dma_wait3A_190] : memref<32768x1024xf32, #tpu.memory_space<hbm>> -> memref<2048x1024xf32, #tpu.memory_space<hbm>>
    tpu.wait_dma2 semaphore(%arg8 : memref<!tpu.dma_semaphore, #tpu.memory_space<semaphore_mem>>) src(%dma_wait3A_191 : memref<2048x1024xf32, #tpu.memory_space<hbm>>) dst(%arg4 : memref<2048x1024xf32, #tpu.memory_space<vmem>>)
    %get3A_192 = arith.constant 0 : index
    %get3A_193 = arith.constant 0 : index
    %get3A_194 = vector.load %arg4[%get3A_192, %get3A_193] : memref<2048x1024xf32, #tpu.memory_space<vmem>>, vector<2048x1024xf32>
    %dot_general3A_195 = arith.constant dense<0.000000e+00> : vector<8x2048xf32>
    %dot_general3A_196 = tpu.matmul %get3A_1, %get3A_194, %dot_general3A_195 {dimension_numbers = #tpu.dot_dimension_numbers<[1], [1], [0], [0], [0, 0, 1, 0], [], []>, transpose_lhs_hint = false} : vector<8x1024xf32>, vector<2048x1024xf32>, vector<8x2048xf32> -> vector<8x2048xf32>
    %swap3A_197 = arith.constant 0 : index
    %swap3A_198 = arith.constant 26624 : index
    %swap3A_199 = vector.load %arg2[%swap3A_197, %swap3A_198] : memref<8x32768xf32, #tpu.memory_space<vmem>>, vector<8x2048xf32>
    tpu.vector_store %arg2[%swap3A_197, %swap3A_198], %dot_general3A_196 {strides = array<i32>} : memref<8x32768xf32, #tpu.memory_space<vmem>>, vector<8x2048xf32>,
    %dma_wait3A_200 = arith.constant 28672 : i32
    %dma_wait3A_201 = arith.constant 0 : i32
    %dma_wait3A_202 = tpu.memref_slice %arg0[%dma_wait3A_200, %dma_wait3A_201] : memref<32768x1024xf32, #tpu.memory_space<hbm>> -> memref<2048x1024xf32, #tpu.memory_space<hbm>>
    tpu.wait_dma2 semaphore(%arg9 : memref<!tpu.dma_semaphore, #tpu.memory_space<semaphore_mem>>) src(%dma_wait3A_202 : memref<2048x1024xf32, #tpu.memory_space<hbm>>) dst(%arg5 : memref<2048x1024xf32, #tpu.memory_space<vmem>>)
    %get3A_203 = arith.constant 0 : index
    %get3A_204 = arith.constant 0 : index
    %get3A_205 = vector.load %arg5[%get3A_203, %get3A_204] : memref<2048x1024xf32, #tpu.memory_space<vmem>>, vector<2048x1024xf32>
    %dot_general3A_206 = arith.constant dense<0.000000e+00> : vector<8x2048xf32>
    %dot_general3A_207 = tpu.matmul %get3A_1, %get3A_205, %dot_general3A_206 {dimension_numbers = #tpu.dot_dimension_numbers<[1], [1], [0], [0], [0, 0, 1, 0], [], []>, transpose_lhs_hint = false} : vector<8x1024xf32>, vector<2048x1024xf32>, vector<8x2048xf32> -> vector<8x2048xf32>
    %swap3A_208 = arith.constant 0 : index
    %swap3A_209 = arith.constant 28672 : index
    %swap3A_210 = vector.load %arg2[%swap3A_208, %swap3A_209] : memref<8x32768xf32, #tpu.memory_space<vmem>>, vector<8x2048xf32>
    tpu.vector_store %arg2[%swap3A_208, %swap3A_209], %dot_general3A_207 {strides = array<i32>} : memref<8x32768xf32, #tpu.memory_space<vmem>>, vector<8x2048xf32>,
    %dma_wait3A_211 = arith.constant 30720 : i32
    %dma_wait3A_212 = arith.constant 0 : i32
    %dma_wait3A_213 = tpu.memref_slice %arg0[%dma_wait3A_211, %dma_wait3A_212] : memref<32768x1024xf32, #tpu.memory_space<hbm>> -> memref<2048x1024xf32, #tpu.memory_space<hbm>>
    tpu.wait_dma2 semaphore(%arg10 : memref<!tpu.dma_semaphore, #tpu.memory_space<semaphore_mem>>) src(%dma_wait3A_213 : memref<2048x1024xf32, #tpu.memory_space<hbm>>) dst(%arg6 : memref<2048x1024xf32, #tpu.memory_space<vmem>>)
    %get3A_214 = arith.constant 0 : index
    %get3A_215 = arith.constant 0 : index
    %get3A_216 = vector.load %arg6[%get3A_214, %get3A_215] : memref<2048x1024xf32, #tpu.memory_space<vmem>>, vector<2048x1024xf32>
    %dot_general3A_217 = arith.constant dense<0.000000e+00> : vector<8x2048xf32>
    %dot_general3A_218 = tpu.matmul %get3A_1, %get3A_216, %dot_general3A_217 {dimension_numbers = #tpu.dot_dimension_numbers<[1], [1], [0], [0], [0, 0, 1, 0], [], []>, transpose_lhs_hint = false} : vector<8x1024xf32>, vector<2048x1024xf32>, vector<8x2048xf32> -> vector<8x2048xf32>
    %swap3A_219 = arith.constant 0 : index
    %swap3A_220 = arith.constant 30720 : index
    %swap3A_221 = vector.load %arg2[%swap3A_219, %swap3A_220] : memref<8x32768xf32, #tpu.memory_space<vmem>>, vector<8x2048xf32>
    tpu.vector_store %arg2[%swap3A_219, %swap3A_220], %dot_general3A_218 {strides = array<i32>} : memref<8x32768xf32, #tpu.memory_space<vmem>>, vector<8x2048xf32>,
    return
  }
}

</mosaic_0001>

<sc_bundles>
// kernel: kernel.4.cloned.1.call-start
scs
__scs_entry_jumppad:
0x0: {  	(pc) =	sbr.rel $0x88, $3  }
0x1: {  	(tag) =	ssettag $0x0;
	lr =	simm.s32 $0x1  }
0x2: {  	[smem:$0x3F9F] =	sst lr;
	_ =	strace $0xD0000000  }
0x3: {  	_ = 	snop  }
0x4: {  	_ = 	snop  }
0x5: {  	_ = 	snop  }
0x6: {  	_ = 	snop  }
0x7: {  	_ = 	snop  }
__scs_overlays_trampoline_lowered:
0x8: {  	[smem:$0x3FAE] =	sst s0  }
0x9: {  	[smem:$0x3FAF] =	sst s1  }
0xa: {  	[smem:$0x3FB0] =	sst s2  }
0xb: {  	[smem:$0x3FB1] =	sst s3  }
0xc: {  	[smem:$0x3FB2] =	sst s4  }
0xd: {  	[smem:$0x3FB3] =	sst s5  }
0xe: {  	[smem:$0x3FB4] =	sst s6  }
0xf: {  	[smem:$0x3FB5] =	sst s7  }
0x10: {  	[smem:$0x3FB6] =	sst s8  }
0x11: {  	[smem:$0x3FB7] =	sst s9;
	s0 =	simm.s32 @!p0 $0x0  }
0x12: {  	s1 =	sld [smem:$0x3F9D];
	s0 =	simm.s32 @p0 $0x1  }
0x13: {  	[smem:$0x3FB8] =	sst s0;
	s0 =	simm.s32 @!p1 $0x0  }
0x14: {  	s2 =	sld [smem:$0x3F9C];
	s0 =	simm.s32 @p1 $0x1  }
0x15: {  	[smem:$0x3FB9] =	sst s0;
	s0 =	simm.s32 @!p2 $0x0  }
0x16: {  	s3 =	sld [smem:$0x3FDB];
	s0 =	simm.s32 @p2 $0x1  }
0x17: {  	s4 =	simm.s32 $0x1BF5;
	[smem:$0x3FBB] =	sst s0  }
0x18: {  	s0 =	sld [smem:$0x3F9E];
	_ =	swait.ge [sflag:s4], $0x0  }
0x19: {  	s7 =	sld [smem:$0x3F9F]  }
0x1a: {  	s8 =	sadd.s32 $0xFFFFE003, lr  }
0x1b: {  	s9 =	sadd.s32 $0xFFFFFEF7, lr;
	s5 =	simm.s32 $0xFFFFFFFF;
	p2 =	slt.u32 s8, $0xFFFFF086  }
0x1c: {  	p1 =	slt.u32 s9, $0xF7A;
	s5 =	simm.s32 @!p2 $0x0  }
0x1d: {  	s5 =	simm.s32 @p1 $0x1;
	p0 =	seq.s32 s7, s2  }
0x1e: {  	s7 =	smul.u32 @!p0 $0xF7A, s2;
	p2 =	seq.s32 @!p0 s5, $0x0  }
0x1f: {  	s9 =	smul.u32 $0xF7A, s1;
	s8 =	simm.s32 @!p0 $0x1BF5;
	p2 =	por !p2, p0  }
0x20: {  	[sflag:s8] =	ssyncset.s32 @!p0 $0xFFFFF086;
	s6 =	sadd.s32 @!p0 s3, s7;
	s7 =	simm.s32 @!p0 $0x108  }
0x21: {  	s3 =	sadd.s32 s3, s9;
	s6 =	sadd.s32 @!p0 $0x88, s6;
	s7 =	simm.s32 @p2 $0x1082  }
0x22: {  	[simem:s7], [sflag:s8] =	dma.local @!p0 [hbm:s6], $0xF7A  }
0x23: {  	s9 =	sor.u32 $0xD0000000, s2;
	s6 =	simm.s32 $0x108;
	_ =	swait.ge @!p0 [sflag:s8], $0x0  }
0x24: {  	s3 =	sadd.s32 $0x88, s3;
	s6 =	simm.s32 @!p1 $0x1082;
	[sflag:s4] =	ssyncset.s32 $0xFFFFF086  }
0x25: {  	[simem:s6], [sflag:s4] =	dma.local [hbm:s3], $0xF7A  }
0x26: {  	[smem:$0x3F9F] =	sst s1;
	(tag) =	ssettag s2;
	_ =	strace s9  }
0x27: {  	s1 =	sld [smem:$0x3FAF]  }
0x28: {  	s2 =	sld [smem:$0x3FB0]  }
0x29: {  	s4 =	sld [smem:$0x3FB2]  }
0x2a: {  	p0 =	seq.s32 s5, $0x0;
	s5 =	sld [smem:$0x3FB3]  }
0x2b: {  	s6 =	sld [smem:$0x3FB4]  }
0x2c: {  	s7 =	sld [smem:$0x3FB5]  }
0x2d: {  	s3 =	simm.s32 $0x108;
	s8 =	sld [smem:$0x3FB6]  }
0x2e: {  	s3 =	simm.s32 @!p0 $0x1082;
	s9 =	sld [smem:$0x3FB7]  }
0x2f: {  	lr =	sadd.s32 s0, s3;
	s0 =	sld [smem:$0x3FAE]  }
0x30: {  	s3 =	sld [smem:$0x3FB1]  }
0x31: {  	[smem:$0x3FBA] =	sst s10  }
0x32: {  	s10 =	sld [smem:$0x3FB8];
	_ =	sdelay $0x3  }
0x33: {  	p0 =	seq.s32 s10, $0x1;
	s10 =	sld [smem:$0x3FBA];
	_ =	sdelay $0x3  }
0x34: {  	[smem:$0x3FBA] =	sst s10  }
0x35: {  	s10 =	sld [smem:$0x3FB9];
	_ =	sdelay $0x3  }
0x36: {  	p1 =	seq.s32 s10, $0x1;
	s10 =	sld [smem:$0x3FBA];
	_ =	sdelay $0x3  }
0x37: {  	[smem:$0x3FBA] =	sst s10  }
0x38: {  	s10 =	sld [smem:$0x3FBB]  }
0x39: {  	_ = 	snop;
	(pc) =	sbr.ind lr, $3  }
0x3a: {  	_ = 	snop  }
0x3b: {  	_ = 	snop  }
0x3c: {  	p2 =	seq.s32 s10, $0x1;
	s10 =	sld [smem:$0x3FBA]  }
0x3d: {  	_ =	shalt  }
0x3e: {  	_ =	shalt  }
0x3f: {  	_ =	shalt  }
0x40: {  	_ =	shalt  }
0x41: {  	_ =	shalt  }
0x42: {  	_ =	shalt  }
0x43: {  	_ =	shalt  }
0x44: {  	_ =	shalt  }
0x45: {  	_ =	shalt  }
0x46: {  	_ =	shalt  }
0x47: {  	_ =	shalt  }
0x48: {  	_ =	shalt  }
0x49: {  	_ =	shalt  }
0x4a: {  	_ =	shalt  }
0x4b: {  	_ =	shalt  }
0x4c: {  	_ =	shalt  }
0x4d: {  	_ =	shalt  }
0x4e: {  	_ =	shalt  }
0x4f: {  	_ =	shalt  }
0x50: {  	_ =	shalt  }
0x51: {  	_ =	shalt  }
0x52: {  	_ =	shalt  }
0x53: {  	_ =	shalt  }
0x54: {  	_ =	shalt  }
0x55: {  	_ =	shalt  }
0x56: {  	_ =	shalt  }
0x57: {  	_ =	shalt  }
0x58: {  	_ =	shalt  }
0x59: {  	_ =	shalt  }
0x5a: {  	_ =	shalt  }
0x5b: {  	_ =	shalt  }
0x5c: {  	_ =	shalt  }
0x5d: {  	_ =	shalt  }
0x5e: {  	_ =	shalt  }
0x5f: {  	_ =	shalt  }
0x60: {  	_ =	shalt  }
0x61: {  	_ =	shalt  }
0x62: {  	_ =	shalt  }
0x63: {  	_ =	shalt  }
0x64: {  	_ =	shalt  }
0x65: {  	_ =	shalt  }
0x66: {  	_ =	shalt  }
0x67: {  	_ =	shalt  }
0x68: {  	_ =	shalt  }
0x69: {  	_ =	shalt  }
0x6a: {  	_ =	shalt  }
0x6b: {  	_ =	shalt  }
0x6c: {  	_ =	shalt  }
0x6d: {  	_ =	shalt  }
0x6e: {  	_ =	shalt  }
0x6f: {  	_ =	shalt  }
0x70: {  	_ =	shalt  }
0x71: {  	_ =	shalt  }
0x72: {  	_ =	shalt  }
0x73: {  	_ =	shalt  }
0x74: {  	_ =	shalt  }
0x75: {  	_ =	shalt  }
0x76: {  	_ =	shalt  }
0x77: {  	_ =	shalt  }
0x78: {  	_ =	shalt  }
0x79: {  	_ =	shalt  }
0x7a: {  	_ =	shalt  }
0x7b: {  	_ =	shalt  }
0x7c: {  	_ =	shalt  }
0x7d: {  	_ =	shalt  }
0x7e: {  	_ =	shalt  }
0x7f: {  	_ =	shalt  }
0x80: {  	_ =	shalt  }
0x81: {  	_ =	shalt  }
0x82: {  	_ =	shalt  }
0x83: {  	_ =	shalt  }
0x84: {  	_ =	shalt  }
0x85: {  	_ =	shalt  }
0x86: {  	_ =	shalt  }
0x87: {  	_ =	shalt  }
.Lfunc_end0:
.L_simem_size_0:
called_computation_lowered:
.L_overlay_start_0:
0x88: {  	s2 =	sld [smem:$0x3FD9]  }
0x89: {  	s3 =	sld [smem:$0x3FFE];
	_ =	sdelay $0x1  }
0x8a: {  	s1 =	srdreg.scid  }
0x8b: {  	s0 =	sand.u32 $0x1, s1  }
0x8c: {  	s14 =	sshll.u32 s0, $0xA;
	s2 =	sadd.s32 s3, s2  }
0x8d: {  	s2 =	sadd.s32 s2, s14  }
0x8e: {  	[smem:$0x3FC6] =	sst s2  }
0x8f: {  	_ = 	snop  }
0x90: {  	s2 =	sld [smem:$0x3FD0];
	_ =	sdelay $0x2  }
0x91: {  	s15 =	simm.s32 $0xA;
	s4 =	simm.s32 $0x10  }
0x92: {  	[smem:s4], [sflag:s15] =	dma.local [hbm:s2], $0x1  }
0x93: {  	_ =	swait.eq [sflag:s15], $0x1  }
0x94: {  	[sflag:s15] =	ssyncset.done $0x0  }
0x95: {  	s16 =	sld [smem:$0x10];
	[sflag:s15] =	ssyncadd.s32 $0xFFFFFFFF  }
0x96: {  	s17 =	sld [smem:$0x11];
	(tm) =	ssettm $0x1  }
0x97: {  	s18 =	sld [smem:$0x3FFB];
	_ =	sdelay $0x3  }
0x98: {  	_ =	strace s18  }
0x99: {  	s4 =	sld [smem:$0x3FFC];
	_ =	sdelay $0x3  }
0x9a: {  	_ =	strace s4  }
0x9b: {  	s4 =	sld [smem:$0x3FFD];
	_ =	sdelay $0x3  }
0x9c: {  	_ =	strace s4  }
0x9d: {  	_ =	strace $0x8FFFFFFF  }
0x9e: {  	s19 =	sld [smem:$0x3FDB];
	_ =	sdelay $0x1  }
0x9f: {  	s5 =	simm.s32 $_scs_section_size  }
0xa0: {  	s6 =	simm.s32 $_size__tile_overlayer_lowered;
	s7 =	simm.s32 $_tile_overlayer_lowered  }
0xa1: {  	s22 =	simm.s32 $0x1BFF;
	s21 =	sshll.u32 s7, $0x1;
	s4 =	sadd.s32 s5, s19  }
0xa2: {  	s8 =	simm.s32 $0x0;
	s20 =	sshll.u32 s6, $0x1;
	s6 =	sadd.s32 s21, s4  }
0xa3: {  	[timem:s8], [sflag:s22] =	dma.local [hbm:s6], s20  }
0xa4: {  	_ =	swait.ge [sflag:s22], s20  }
0xa5: {  	s5 =	ssub.s32 $0x0, s20;
	[sflag:s22] =	ssyncset.done $0x0  }
0xa6: {  	[sflag:s22] =	ssyncadd.s32 s5;
	_ =	sdelay $0x1  }
0xa7: {  	s23 =	simm.s32 $0x1B8B  }
0xa8: {  	_ =	swait.ge [sflag:s23], $0x1  }
0xa9: {  	[sflag:s23] =	ssyncset.done $0x0  }
0xaa: {  	s25 =	simm.s32 $0x1B8E;
	s24 =	sld [smem:$0x3FFE];
	[sflag:s23] =	ssyncadd.s32 $0xFFFFFFFF  }
0xab: {  	s26 =	simm.s32 $execute0_lowered;
	[smem:$0x3FD2] =	sst s25  }
0xac: {  	s6 =	sshll.u32 s26, $0x1;
	_ =	strace $0x80000046;
	[dreg:$0x1] =	wrdreg $0xFFFFFFFF  }
0xad: {  	s28 =	simm.s32 $_size_execute0_lowered;
	s4 =	sadd.s32 s4, s6;
	[dreg:$0x0] =	wrdreg $0x0  }
0xae: {  	s6 =	sshll.u32 s28, $0x1;
	[dreg:$0x2] =	wrdreg s4  }
0xaf: {  	[dreg:$0x3] =	wrdreg s6  }
0xb0: {  	[dreg:$0x4] =	wrdreg $0xC0  }
0xb1: {  	_ =	task [dreg:s8], $0x5FFFF  }
0xb2: {  	[dreg:$0x1] =	wrdreg $0xFFFFFFFF  }
0xb3: {  	[dreg:$0x0] =	wrdreg $0x60  }
0xb4: {  	[dreg:$0x2] =	wrdreg s24  }
0xb5: {  	[dreg:$0x3] =	wrdreg s16  }
0xb6: {  	[dreg:$0x4] =	wrdreg s17  }
0xb7: {  	[dreg:$0x5] =	wrdreg $0x9  }
0xb8: {  	_ =	task.clear_ibuf [dreg:s8], $0x6FFFF;
	_ =	strace $0x90000046  }
0xb9: {  	s29 =	simm.s32 $0x9;
	_ =	strace $0x80000048  }
0xba: {  	_ =	swait.ge [sflag:s29], $0x1  }
0xbb: {  	[sflag:s29] =	ssyncadd.s32 $0xFFFFFFFF  }
0xbc: {  	_ =	strace $0x90000048  }
0xbd: {  	_ =	sfence  }
0xbe: {  	s30 =	sld [smem:$0x0];
	_ =	sdelay $0x2  }
0xbf: {  	s31 =	sshll.u32 s1, $0xD;
	s1 =	sshrl.u32 s1, $0x2  }
0xc0: {  	s3 =	sand.u32 $0x4000, s31;
	s1 =	sadd.s32 s1, s30  }
0xc1: {  	s0 =	sor.u32 s3, s0;
	s1 =	sshll.u32 s1, $0x11  }
0xc2: {  	s0 =	sor.u32 s1, s0  }
0xc3: {  	s0 =	sadd.s32 $0x8F2B, s0  }
0xc4: {  	[sflag:s0] =	ssyncadd.remote.s32 $0x1  }
0xc5: {  	_ =	sfence.sel $0xFFFF  }
0xc6: {  	[dreg:$0x0] =	wrdreg $0xFFFFFFFF;
	(pc) =	sbr.abs _section_cstart, $3  }
0xc7: {  	[dreg:$0x1] =	wrdreg $0xFFFFFFFF  }
0xc8: {  	_ =	task.clear_ibuf [dreg:s8], $0x2FFFF;
	_ =	strace $0x9FFFFFFF  }
0xc9: {  	(tm) =	ssettm $0x7FFFFFFF  }
tec
execute0_lowered:
.L_overlay_start_1:
0x0: {  	(tag) =	ssettag $0x1  }
0x1: {  	s3 =	rddreg [dreg:$0x0]  }
0x2: {  	s4 =	rddreg [dreg:$0x1]  }
0x3: {  	s5 =	rddreg [dreg:$0x2]  }
0x4: {  	s0 =	rddreg [dreg:$0x3];
	s6 =	srdreg.scid  }
0x5: {  	s2 =	simm.s32 $0x0;
	s1 =	stileid.u32;
	s9 =	simm.s32 $0x2800  }
0x6: {  	s10 =	simm.s32 $0x0;
	s6 =	sand.u32 $0x1, s6;
	[smem:$0x7FF] =	sst s2  }
0x7: {  	s7 =	sshll.u32 s1, $0xB;
	s8 =	sshll.u32 s6, $0xA;
	s6 =	ssub.s32 $0x2, s6  }
0x8: {  	_ =	strace $0x80000047;
	s7 =	sor.u32 s8, s7;
	s31 =	sshrl.u32 s6, $0x1  }
0x9: {  	s8 =	simm.s32 $0x2000;
	s3 =	sadd.s32 s7, s3;
	s7 =	sshrl.u32 s7, $0x2  }
0xa: {  	s6 =	ssub.s32 s6, s31;
	s3 =	sadd.s32 $0xC00, s3;
	s4 =	sadd.s32 s4, s7  }
0xb: {  	v0 =	vimm.s32 $0x0;
	s5 =	sadd.s32 s5, s7;
	s6 =	smax.u32 s6, $0x1;
	s7 =	simm.s32 $0x1  }
.LBB2_1:
0xc: {  	[tilespmem:s2], [sflag:$0x1] =	stream.linear.gather [hbm4b:s3+s2], $0x2000, $0x38;
	[tilespmem:$0x3000] =	vst v63  }
0xd: {  	s12 =	simm.s32 $0x0;
	_ =	swait.ge [sflag:s7], $0x2000  }
0xe: {  	s11 =	sand.u32 $0x70, s2;
	s12 =	sand.u32 $0x3FFFFC00, s12;
	[sflag:s7] =	ssyncset.done $0x0  }
0xf: {  	s12 =	sor.u32 s11, s12;
	[sflag:s7] =	ssyncadd.s32 $0xFFFFE000  }
0x10: {  	v1 =	vld [tilespmem:s12+$0x0]  }
0x11: {  	v2 =	vld [tilespmem:s12+$0x80]  }
0x12: {  	v3 =	vld [tilespmem:s12+$0x100]  }
0x13: {  	v4 =	vld [tilespmem:s12+$0x180]  }
0x14: {  	v5 =	vld [tilespmem:s12+$0x200]  }
0x15: {  	v6 =	vld [tilespmem:s12+$0x280]  }
0x16: {  	v7 =	vld [tilespmem:s12+$0x300];
	v8 =	vmax.f32 v1, v2  }
0x17: {  	v9 =	vld [tilespmem:s12+$0x380];
	v8 =	vmax.f32 v8, v3  }
0x18: {  	v8 =	vmax.f32 v8, v4  }
0x19: {  	v8 =	vmax.f32 v8, v5  }
0x1a: {  	v8 =	vmax.f32 v8, v6  }
0x1b: {  	v8 =	vmax.f32 v8, v7  }
0x1c: {  	v8 =	vmax.f32 v8, v9  }
0x1d: {  	v1 =	vsub.f32 v1, v8  }
0x1e: {  	v2 =	vsub.f32 v2, v8  }
0x1f: {  	v4 =	vsub.f32 v4, v8;
	v1 =	vmul.f32 $1.442695020e+00, v1  }
0x20: {  	v3 =	vsub.f32 v3, v8;
	v2 =	vmul.f32 $1.442695020e+00, v2  }
0x21: {  	v4 =	vmul.f32 $1.442695020e+00, v4;
	(erf) = vpow2.f32 v1  }
0x22: {  	v1 =	vmul.f32 $1.442695020e+00, v3;
	(erf) = vpow2.f32 v2  }
0x23: {  	(erf) = vpow2.f32 v4  }
0x24: {  	v2 =	vsub.f32 v5, v8;
	(erf) = vpow2.f32 v1;
	v1 =	vsub.f32 v6, v8;
	_ =	sdelay $0x1  }
0x25: {  	v2 =	vmul.f32 $1.442695020e+00, v2;
	v1 =	vmul.f32 $1.442695020e+00, v1;
	_ =	sdelay $0x1  }
0x26: {  	v3 =	vsub.f32 v7, v8;
	(erf) = vpow2.f32 v2;
	_ =	sdelay $0x1  }
0x27: {  	v3 =	vmul.f32 $1.442695020e+00, v3;
	v2 =	vsub.f32 v9, v8;
	(erf) = vpow2.f32 v1;
	v1 =	vpop (erf)  }
0x28: {  	v4 =	vpop (erf)  }
0x29: {  	v2 =	vmul.f32 $1.442695020e+00, v2;
	(erf) = vpow2.f32 v3;
	v3 =	vadd.f32 v4, v1;
	v5 =	vpop (erf)  }
0x2a: {  	v59 =	vpop (erf)  }
0x2b: {  	(erf) = vpow2.f32 v2;
	v2 =	vadd.f32 v3, v59;
	_ =	sdelay $0x1  }
0x2c: {  	v2 =	vadd.f32 v2, v5  }
0x2d: {  	v3 =	vpop (erf)  }
0x2e: {  	v2 =	vadd.f32 v2, v3  }
0x2f: {  	v60 =	vpop (erf)  }
0x30: {  	v2 =	vadd.f32 v2, v60  }
0x31: {  	v61 =	vpop (erf)  }
0x32: {  	v2 =	vadd.f32 v2, v61  }
0x33: {  	v62 =	vpop (erf)  }
0x34: {  	v2 =	vadd.f32 v2, v62;
	_ =	sdelay $0x1  }
0x35: {  	(erf) = vrcp.f32 v2;
	_ =	sdelay $0x8  }
0x36: {  	v2 =	vpop (erf)  }
0x37: {  	v1 =	vmul.f32 v2, v1;
	v4 =	vmul.f32 v2, v4;
	_ =	sdelay $0x1  }
0x38: {  	v6 =	vmul.f32 v2, v59;
	vm0 =	vgt.f32 v4, v1  }
0x39: {  	v10 =	vsel vm0, v4, v1  }
0x3a: {  	v5 =	vmul.f32 v2, v5;
	vm1 =	vgt.f32 v6, v10  }
0x3b: {  	v10 =	vsel vm1, v6, v10  }
0x3c: {  	v3 =	vmul.f32 v2, v3;
	vm2 =	vgt.f32 v5, v10  }
0x3d: {  	v10 =	vsel vm2, v5, v10  }
0x3e: {  	v7 =	vmul.f32 v2, v60;
	vm3 =	vgt.f32 v3, v10  }
0x3f: {  	v10 =	vsel vm3, v3, v10  }
0x40: {  	v8 =	vmul.f32 v2, v61;
	v11 =	vsel vm0, $0x1, v0;
	vm7 =	vgt.f32 v7, v10  }
0x41: {  	v11 =	vsel vm1, $0x2, v11;
	v10 =	vsel vm7, v7, v10  }
0x42: {  	v2 =	vmul.f32 v2, v62;
	v63 =	vsel vm2, $0x3, v11;
	vm1 =	vgt.f32 v8, v10  }
0x43: {  	v9 =	vsel vm3, $0x4, v63;
	v10 =	vsel vm1, v8, v10  }
0x44: {  	v9 =	vsel vm7, $0x5, v9;
	vm8 =	vgt.f32 v2, v10  }
0x45: {  	v9 =	vsel vm1, $0x6, v9;
	vm0 =	vmneg vm8  }
0x46: {  	v9 =	vnsel vm0, $0x7, v9  }
0x47: {  	vm9 =	veq.s32 v9, $0x0  }
0x48: {  	v1 =	vsel vm9, $0xBF800000, v1  }
0x49: {  	vm10 =	veq.s32 v9, $0x1;
	vm11 =	vgt.f32 v1, $-1.000000000e+00  }
0x4a: {  	v4 =	vsel vm10, $0xBF800000, v4;
	v1 =	vnsel vm11, $0xBF800000, v1  }
0x4b: {  	vm12 =	veq.s32 v9, $0x2;
	vm3 =	vgt.f32 v4, v1  }
0x4c: {  	v6 =	vsel vm12, $0xBF800000, v6;
	v1 =	vsel vm3, v4, v1  }
0x4d: {  	vm13 =	veq.s32 v9, $0x3;
	vm4 =	vgt.f32 v6, v1  }
0x4e: {  	v4 =	vsel vm13, $0xBF800000, v5;
	v1 =	vsel vm4, v6, v1  }
0x4f: {  	vm14 =	veq.s32 v9, $0x4;
	vm5 =	vgt.f32 v4, v1  }
0x50: {  	v3 =	vsel vm14, $0xBF800000, v3;
	v1 =	vsel vm5, v4, v1  }
0x51: {  	vm15 =	veq.s32 v9, $0x5;
	vm6 =	vgt.f32 v3, v1  }
0x52: {  	v4 =	vsel vm15, $0xBF800000, v7;
	v1 =	vsel vm6, v3, v1  }
0x53: {  	vm1 =	vmand vm1, vm0;
	vm2 =	vgt.f32 v4, v1  }
0x54: {  	v3 =	vsel vm1, $0xBF800000, v8;
	v1 =	vsel vm2, v4, v1  }
0x55: {  	vm1 =	vgt.f32 v3, v1  }
0x56: {  	v4 =	vnsel vm0, $0xBF800000, v2;
	v3 =	vsel vm1, v3, v1  }
0x57: {  	vm7 =	vgt.f32 v4, v3  }
0x58: {  	v1 =	vsel vm0, v10, v2;
	v2 =	vsel vm7, v4, v3  }
0x59: {  	v3 =	vadd.f32 v2, v1;
	_ =	sdelay $0x1  }
0x5a: {  	v3 =	vadd.f32 $9.999999930e-09, v3;
	_ =	sdelay $0x1  }
0x5b: {  	(erf) = vrcp.f32 v3;
	v3 =	vsel vm3, $0x1, v0  }
0x5c: {  	v3 =	vsel vm4, $0x2, v3  }
0x5d: {  	v3 =	vsel vm5, $0x3, v3  }
0x5e: {  	v3 =	vsel vm6, $0x4, v3  }
0x5f: {  	v3 =	vsel vm2, $0x5, v3  }
0x60: {  	s31 =	simm.s32 $0x0;
	v3 =	vsel vm1, $0x6, v3  }
0x61: {  	s12 =	sand.u32 $0xFFFFFF00, s31;
	v3 =	vsel vm7, $0x7, v3  }
0x62: {  	s15 =	sor.u32 s11, s12  }
0x63: {  	[tilespmem:s15+$0x2800] =	vst v9  }
0x64: {  	s11 =	simm.s32 $0x1;
	s12 =	simm.s32 $0x0;
	[tilespmem:s15+$0x2880] =	vst v3;
	v3 =	vpop (erf)  }
.LBB2_2:
0x65: {  	p0 =	sne.s32 s11, $0x3F  }
0x66: {  	v1 =	vmul.f32 v3, v1;
	v2 =	vmul.f32 v3, v2;
	s12 =	sadd.s32 $0x10, s12;
	s14 =	smov.u32 s11;
	s11 =	sadd.s32 $0x1, s11  }
0x67: {  	s16 =	sshll.u32 s14, $0x7  }
0x68: {  	s13 =	sand.u32 $0x70, s12;
	s16 =	sand.u32 $0x3FFFFC00, s16;
	[tilespmem:s15+$0x2000] =	vst v1  }
0x69: {  	s16 =	sor.u32 s13, s16;
	[tilespmem:s15+$0x2080] =	vst v2  }
0x6a: {  	v1 =	vld [tilespmem:s16+$0x0]  }
0x6b: {  	v2 =	vld [tilespmem:s16+$0x80]  }
0x6c: {  	v3 =	vld [tilespmem:s16+$0x100]  }
0x6d: {  	v4 =	vld [tilespmem:s16+$0x180]  }
0x6e: {  	v5 =	vld [tilespmem:s16+$0x200]  }
0x6f: {  	v6 =	vld [tilespmem:s16+$0x280]  }
0x70: {  	v7 =	vld [tilespmem:s16+$0x300];
	v8 =	vmax.f32 v1, v2  }
0x71: {  	v9 =	vld [tilespmem:s16+$0x380];
	v8 =	vmax.f32 v8, v3  }
0x72: {  	v8 =	vmax.f32 v8, v4  }
0x73: {  	v8 =	vmax.f32 v8, v5  }
0x74: {  	v8 =	vmax.f32 v8, v6  }
0x75: {  	v8 =	vmax.f32 v8, v7  }
0x76: {  	v8 =	vmax.f32 v8, v9  }
0x77: {  	v1 =	vsub.f32 v1, v8;
	v2 =	vsub.f32 v2, v8  }
0x78: {  	v3 =	vsub.f32 v3, v8;
	v4 =	vsub.f32 v4, v8  }
0x79: {  	v5 =	vsub.f32 v5, v8;
	v1 =	vmul.f32 $1.442695020e+00, v1;
	v2 =	vmul.f32 $1.442695020e+00, v2  }
0x7a: {  	v6 =	vsub.f32 v6, v8;
	v3 =	vmul.f32 $1.442695020e+00, v3;
	v4 =	vmul.f32 $1.442695020e+00, v4  }
0x7b: {  	v7 =	vsub.f32 v7, v8;
	v5 =	vmul.f32 $1.442695020e+00, v5;
	(erf) = vpow2.f32 v1  }
0x7c: {  	v1 =	vmul.f32 $1.442695020e+00, v6;
	v6 =	vsub.f32 v9, v8;
	(erf) = vpow2.f32 v2  }
0x7d: {  	v2 =	vmul.f32 $1.442695020e+00, v7;
	(erf) = vpow2.f32 v4  }
0x7e: {  	v4 =	vmul.f32 $1.442695020e+00, v6;
	(erf) = vpow2.f32 v3;
	_ =	sdelay $0x1  }
0x7f: {  	(erf) = vpow2.f32 v5;
	_ =	sdelay $0x1  }
0x80: {  	(erf) = vpow2.f32 v1;
	_ =	sdelay $0x1  }
0x81: {  	v1 =	vpop (erf);
	(erf) = vpow2.f32 v2  }
0x82: {  	v2 =	vpop (erf)  }
0x83: {  	v3 =	vadd.f32 v2, v1;
	v5 =	vpop (erf);
	(erf) = vpow2.f32 v4  }
0x84: {  	v4 =	vpop (erf)  }
0x85: {  	v3 =	vadd.f32 v3, v4  }
0x86: {  	v6 =	vpop (erf)  }
0x87: {  	v3 =	vadd.f32 v3, v5  }
0x88: {  	v7 =	vpop (erf)  }
0x89: {  	v3 =	vadd.f32 v3, v6  }
0x8a: {  	v8 =	vpop (erf)  }
0x8b: {  	v3 =	vadd.f32 v3, v7  }
0x8c: {  	v9 =	vpop (erf)  }
0x8d: {  	v3 =	vadd.f32 v3, v8;
	_ =	sdelay $0x1  }
0x8e: {  	v3 =	vadd.f32 v3, v9;
	_ =	sdelay $0x1  }
0x8f: {  	(erf) = vrcp.f32 v3;
	_ =	sdelay $0x8  }
0x90: {  	v3 =	vpop (erf)  }
0x91: {  	v10 =	vmul.f32 v3, v1;
	v2 =	vmul.f32 v3, v2;
	_ =	sdelay $0x1  }
0x92: {  	v4 =	vmul.f32 v3, v4;
	v5 =	vmul.f32 v3, v5;
	vm0 =	vgt.f32 v2, v10  }
0x93: {  	v1 =	vsel vm0, v2, v10  }
0x94: {  	v6 =	vmul.f32 v3, v6;
	vm1 =	vgt.f32 v4, v1  }
0x95: {  	v1 =	vsel vm1, v4, v1  }
0x96: {  	v7 =	vmul.f32 v3, v7;
	vm2 =	vgt.f32 v5, v1  }
0x97: {  	v1 =	vsel vm2, v5, v1  }
0x98: {  	v8 =	vmul.f32 v3, v8;
	v11 =	vsel vm0, $0x1, v0;
	vm0 =	vgt.f32 v6, v1  }
0x99: {  	v11 =	vsel vm1, $0x2, v11;
	v1 =	vsel vm0, v6, v1  }
0x9a: {  	v3 =	vmul.f32 v3, v9;
	v9 =	vsel vm2, $0x3, v11;
	vm1 =	vgt.f32 v7, v1  }
0x9b: {  	v9 =	vsel vm0, $0x4, v9;
	v1 =	vsel vm1, v7, v1  }
0x9c: {  	v9 =	vsel vm1, $0x5, v9;
	vm1 =	vgt.f32 v8, v1  }
0x9d: {  	v1 =	vsel vm1, v8, v1;
	v9 =	vsel vm1, $0x6, v9  }
0x9e: {  	s14 =	sshll.u32 s14, $0x5;
	vm0 =	vgt.f32 v3, v1  }
0x9f: {  	s14 =	sand.u32 $0xFFFFFF00, s14;
	vm0 =	vmneg vm0  }
0xa0: {  	s15 =	sor.u32 s13, s14;
	v1 =	vsel vm0, v1, v3;
	v9 =	vnsel vm0, $0x7, v9;
	vm1 =	vmand vm1, vm0  }
0xa1: {  	vm2 =	veq.s32 v9, $0x0;
	vm3 =	veq.s32 v9, $0x1;
	vm4 =	veq.s32 v9, $0x2;
	[tilespmem:s15+$0x2800] =	vst v9  }
0xa2: {  	v10 =	vsel vm2, $0xBF800000, v10;
	v2 =	vsel vm3, $0xBF800000, v2;
	vm2 =	veq.s32 v9, $0x3  }
0xa3: {  	vm5 =	veq.s32 v9, $0x4;
	vm6 =	veq.s32 v9, $0x5;
	vm3 =	vgt.f32 v10, $-1.000000000e+00  }
0xa4: {  	v4 =	vsel vm4, $0xBF800000, v4;
	v9 =	vnsel vm3, $0xBF800000, v10  }
0xa5: {  	vm3 =	vgt.f32 v2, v9  }
0xa6: {  	v5 =	vsel vm2, $0xBF800000, v5;
	v2 =	vsel vm3, v2, v9  }
0xa7: {  	v9 =	vsel vm3, $0x1, v0;
	vm2 =	vgt.f32 v4, v2  }
0xa8: {  	v6 =	vsel vm5, $0xBF800000, v6;
	v2 =	vsel vm2, v4, v2;
	v4 =	vsel vm2, $0x2, v9  }
0xa9: {  	vm2 =	vgt.f32 v5, v2  }
0xaa: {  	v2 =	vsel vm2, v5, v2;
	v4 =	vsel vm2, $0x3, v4;
	v5 =	vsel vm6, $0xBF800000, v7  }
0xab: {  	vm2 =	vgt.f32 v6, v2  }
0xac: {  	v2 =	vsel vm2, v6, v2;
	v6 =	vsel vm1, $0xBF800000, v8  }
0xad: {  	vm1 =	vgt.f32 v5, v2  }
0xae: {  	v3 =	vnsel vm0, $0xBF800000, v3;
	v2 =	vsel vm1, v5, v2  }
0xaf: {  	v4 =	vsel vm2, $0x4, v4;
	vm0 =	vgt.f32 v6, v2  }
0xb0: {  	v4 =	vsel vm1, $0x5, v4;
	v2 =	vsel vm0, v6, v2  }
0xb1: {  	v4 =	vsel vm0, $0x6, v4;
	vm0 =	vgt.f32 v3, v2  }
0xb2: {  	v2 =	vsel vm0, v3, v2;
	v3 =	vsel vm0, $0x7, v4  }
0xb3: {  	v4 =	vadd.f32 v2, v1;
	[tilespmem:s15+$0x2880] =	vst v3;
	_ =	sdelay $0x1  }
0xb4: {  	v3 =	vadd.f32 $9.999999930e-09, v4;
	_ =	sdelay $0x1  }
0xb5: {  	(erf) = vrcp.f32 v3;
	_ =	sdelay $0x4  }
.Ltmp0:
0xb6: {  	(pc) =	sbr.rel @p0 .LBB2_2-.Ltmp0, $2  }
0xb7: {  	_ =	sdelay $0x2  }
0xb8: {  	v3 =	vpop (erf)  }
0xb9: {  	v1 =	vmul.f32 v3, v1  }
0xba: {  	v2 =	vmul.f32 v3, v2  }
0xbb: {  	[tilespmem:s15+$0x2000] =	vst v1  }
0xbc: {  	[tilespmem:s15+$0x2080] =	vst v2  }
0xbd: {  	[hbm4b:s4+s2] =	stream.linear.scatter [tilespmem:s8], [sflag:$0x1], $0x800, $0x38;
	[tilespmem:$0x3000] =	vst v63  }
0xbe: {  	s10 =	sadd.s32 $0x1, s10;
	_ =	swait.ge [sflag:s7], $0x800  }
0xbf: {  	p0 =	sne.s32 s10, s6;
	[sflag:s7] =	ssyncset.done $0x0  }
.Ltmp1:
0xc0: {  	[sflag:s7] =	ssyncadd.s32 $0xFFFFF800;
	(pc) =	sbr.rel @p0 .LBB2_1-.Ltmp1, $4  }
0xc1: {  	[hbm4b:s5+s2] =	stream.linear.scatter [tilespmem:s9], [sflag:$0x1], $0x800, $0x38;
	[tilespmem:$0x3000] =	vst v63  }
0xc2: {  	_ =	swait.ge [sflag:s7], $0x800  }
0xc3: {  	[sflag:s7] =	ssyncset.done $0x0  }
0xc4: {  	[sflag:s7] =	ssyncadd.s32 $0xFFFFF800  }
0xc5: {  	_ =	sfence.sel $0x180000  }
0xc6: {  	[bflag:$0x0] =	sbarrier.arrive $0xFFFF  }
0xc7: {  	p0 =	sne.s32 s1, $0x0;
	_ =	strace $0x90000047  }
0xc8: {  	s0 =	sadd.s32 @!p0 $0x100000, s0;
	[bflag:$0x2] =	sbarrier.arrive $0xFFFF  }
0xc9: {  	[sflag:s0] =	ssyncadd.tile.s32 @!p0 $0x1;
	_ =	shalt  }
.Lfunc_end2:
_tile_overlayer_lowered:
.L_overlay_start_2:
0xca: {  	(tag) =	ssettag $0x2  }
0xcb: {  	s0 =	rddreg [dreg:$0x0];
	s2 =	stileid.u32  }
0xcc: {  	s1 =	rddreg [dreg:$0x1];
	p0 =	sne.s32 s2, $0x0  }
0xcd: {  	s3 =	rddreg [dreg:$0x2];
	[bflag:$0x3] =	sbarrier.arrive $0xFFFF;
	s2 =	simm.s32 @!p0 $0x1C01  }
0xce: {  	[timem:s3], [sflag:s2] =	dma.local @!p0 [hbm:s0], s1  }
0xcf: {  	s0 =	simm.s32 @!p0 $0x1  }
0xd0: {  	_ =	swait.ge @!p0 [sflag:s0], s1  }
0xd1: {  	s1 =	ssub.s32 @!p0 $0x0, s1;
	[sflag:s0] =	ssyncset.done @!p0 $0x0  }
0xd2: {  	[sflag:s0] =	ssyncadd.s32 @!p0 s1  }
0xd3: {  	[bflag:$0x3] =	sbarrier.arrive $0xFFFF  }
0xd4: {  	_ =	shalt  }

</sc_bundles>
